<compile_context>
chip_gen: v7x
topology: tpu7x:2x2x1
jax: 0.10.2.dev20260603
libtpu: 0.0.44.dev20260713+nightly
codegen_flags: <defaults>
</compile_context>

<pallas_src>
import functools

import jax
import jax.numpy as jnp
from jax import lax
from jax.experimental import pallas as pl
from jax.experimental.pallas import tpu as pltpu
from jax.experimental.pallas import tpu_sc as plsc

_LANES = 16
_NBUF = 5


@functools.lru_cache(maxsize=None)
def _build(B, S, H, NC, NS):
    NW = NC * NS
    s_per_w = S // NW
    C = max(8, s_per_w // 2)
    n_sub = s_per_w // C
    NCH = B * n_sub

    mesh = plsc.VectorSubcoreMesh(core_axis_name="c", subcore_axis_name="s")

    @functools.partial(
        pl.kernel,
        out_type=jax.ShapeDtypeStruct((B * S, H), jnp.float32),
        mesh=mesh,
        scratch_types=[
            *[pltpu.VMEM((C,), jnp.int32) for _ in range(NCH)],
            *[pltpu.VMEM((C, H), jnp.float32) for _ in range(_NBUF)],
            pltpu.VMEM((s_per_w, H), jnp.float32),
            *[pltpu.SemaphoreType.DMA for _ in range(2 * _NBUF + 2)],
        ],
    )
    def emb(ids_hbm, tok_hbm, pos_hbm, out_hbm, *refs):
        idx = refs[:NCH]
        tok = refs[NCH:NCH + _NBUF]
        pos_v = refs[NCH + _NBUF]
        gsem = refs[NCH + _NBUF + 1:NCH + _NBUF + 1 + _NBUF]
        ssem = refs[NCH + _NBUF + 1 + _NBUF:NCH + 1 + 3 * _NBUF]
        isem, psem = refs[NCH + 1 + 3 * _NBUF:]

        wid = lax.axis_index("s") * NC + lax.axis_index("c")
        s_base = wid * s_per_w

        def flat_base(c):
            b, sub = divmod(c, n_sub)
            return b * S + s_base + sub * C

        def idx_src(c):
            return ids_hbm.at[c // n_sub, pl.ds(s_base + (c % n_sub) * C, C)]

        idx0_cp = pltpu.async_copy(idx_src(0), idx[0], isem)
        gathers = [None] * NCH
        stores = [None] * NCH
        idx0_cp.wait()
        gathers[0] = pltpu.async_copy(tok_hbm.at[idx[0]], tok[0], gsem[0])
        pos_cps = [None] * n_sub
        pos_cps[0] = pltpu.async_copy(pos_hbm.at[pl.ds(s_base, C)],
                                      pos_v.at[pl.ds(0, C)], psem)
        idx_cps = [pltpu.async_copy(idx_src(c), idx[c], isem)
                   for c in range(1, NCH)]
        for cp in idx_cps:
            cp.wait()
        lookahead = _NBUF - 3
        for c in range(1, min(lookahead, NCH)):
            gathers[c] = pltpu.async_copy(tok_hbm.at[idx[c]], tok[c % _NBUF],
                                          gsem[c % _NBUF])
        for k in range(1, n_sub):
            pos_cps[k] = pltpu.async_copy(
                pos_hbm.at[pl.ds(s_base + k * C, C)],
                pos_v.at[pl.ds(k * C, C)], isem)

        def row_add(t_ref, p_off, r, _):
            for j in range(H // _LANES):
                sl = pl.ds(j * _LANES, _LANES)
                plsc.addupdate(t_ref.at[r, sl], pos_v[p_off + r, sl])
            return 0

        drained = set()
        for c in range(NCH):
            buf = c % _NBUF
            nc = c + lookahead
            if nc < NCH:
                pv = nc - _NBUF
                if pv >= 0:
                    stores[pv].wait()
                    drained.add(pv)
                gathers[nc] = pltpu.async_copy(
                    tok_hbm.at[idx[nc]], tok[nc % _NBUF], gsem[nc % _NBUF])
            if c < n_sub:
                pos_cps[c].wait()
            gathers[c].wait()
            p_off = (c % n_sub) * C
            lax.fori_loop(0, C, functools.partial(row_add, tok[buf], p_off), 0)
            stores[c] = pltpu.async_copy(
                tok[buf], out_hbm.at[pl.ds(flat_base(c), C)], ssem[buf])
        for c in range(NCH):
            if c not in drained:
                stores[c].wait()

    return emb


def kernel(input_ids, token_table, pos_table):
    B, S = input_ids.shape
    H = token_table.shape[1]
    info = plsc.get_sparse_core_info()
    emb = _build(B, S, H, info.num_cores, info.num_subcores)
    ids = input_ids.astype(jnp.int32)
    out = emb(ids, token_table, pos_table)
    return out.reshape(B, S, H)

# --- scband reference (transcript-rebuilt; emitter-appended) ---
"""Pipeline reference for scband-token-embeddings-26972394619688 (READ-ONLY COPY).

The authoritative reference and input builder live on the scoring server;
editing this copy changes nothing except your own understanding.
"""

import jax, jax.numpy as jnp
import numpy as np

VOCAB = 100000
HIDDEN = 128
MAX_POS = 8192
B, S = 4, 8192

def setup_inputs(seed: int = 0) -> dict:
    key = jax.random.key(seed)
    k1, k2, k3 = jax.random.split(key, 3)
    input_ids = jax.random.randint(k1, (B, S), 0, VOCAB, dtype=jnp.int64 if jax.config.jax_enable_x64 else jnp.int32)
    token_table = jax.random.normal(k2, (VOCAB, HIDDEN), dtype=jnp.float32) * 0.02
    pos_table = jax.random.normal(k3, (MAX_POS, HIDDEN), dtype=jnp.float32) * 0.02
    return {"input_ids": input_ids, "token_table": token_table, "pos_table": pos_table}

def reference(input_ids, token_table, pos_table):
    # token embedding lookup (gather)
    token_embeddings = jnp.take(token_table, input_ids, axis=0)  # [B, S, H]
    # position embedding lookup over arange(seq_len)
    seq_len = input_ids.shape[1]
    position_embeddings = jnp.take(pos_table, jnp.arange(seq_len), axis=0)  # [S, H]
    embeddings = token_embeddings + position_embeddings[None, :, :]
    # dropout is identity in eval mode
    return embeddings

if __name__ == "__main__":
    import jax
    _d = setup_inputs()
    print(jax.jit(kernel)(*tuple(_d.values())))

</pallas_src>

<mosaic_0001>
#map = affine_map<(d0, d1) -> (0, 0)>
module attributes {stable_mosaic.version = 14 : i64} {
  func.func @emb(%arg0: i32, %arg1: i32, %arg2: memref<4x8192xi32, #tpu.memory_space<hbm>>, %arg3: memref<100000x128xf32, #tpu.memory_space<hbm>>, %arg4: memref<8192x128xf32, #tpu.memory_space<hbm>>, %arg5: memref<32768x128xf32, #tpu.memory_space<hbm>>, %arg6: memref<128xi32, #tpu.memory_space<vmem>>, %arg7: memref<128xi32, #tpu.memory_space<vmem>>, %arg8: memref<128xi32, #tpu.memory_space<vmem>>, %arg9: memref<128xi32, #tpu.memory_space<vmem>>, %arg10: memref<128xi32, #tpu.memory_space<vmem>>, %arg11: memref<128xi32, #tpu.memory_space<vmem>>, %arg12: memref<128xi32, #tpu.memory_space<vmem>>, %arg13: memref<128xi32, #tpu.memory_space<vmem>>, %arg14: memref<128x128xf32, #tpu.memory_space<vmem>>, %arg15: memref<128x128xf32, #tpu.memory_space<vmem>>, %arg16: memref<128x128xf32, #tpu.memory_space<vmem>>, %arg17: memref<128x128xf32, #tpu.memory_space<vmem>>, %arg18: memref<128x128xf32, #tpu.memory_space<vmem>>, %arg19: memref<256x128xf32, #tpu.memory_space<vmem>>, %arg20: memref<!tpu.dma_semaphore, #tpu.memory_space<semaphore_mem>>, %arg21: memref<!tpu.dma_semaphore, #tpu.memory_space<semaphore_mem>>, %arg22: memref<!tpu.dma_semaphore, #tpu.memory_space<semaphore_mem>>, %arg23: memref<!tpu.dma_semaphore, #tpu.memory_space<semaphore_mem>>, %arg24: memref<!tpu.dma_semaphore, #tpu.memory_space<semaphore_mem>>, %arg25: memref<!tpu.dma_semaphore, #tpu.memory_space<semaphore_mem>>, %arg26: memref<!tpu.dma_semaphore, #tpu.memory_space<semaphore_mem>>, %arg27: memref<!tpu.dma_semaphore, #tpu.memory_space<semaphore_mem>>, %arg28: memref<!tpu.dma_semaphore, #tpu.memory_space<semaphore_mem>>, %arg29: memref<!tpu.dma_semaphore, #tpu.memory_space<semaphore_mem>>, %arg30: memref<!tpu.dma_semaphore, #tpu.memory_space<semaphore_mem>>, %arg31: memref<!tpu.dma_semaphore, #tpu.memory_space<semaphore_mem>>) attributes {dimension_semantics = [#tpu.dimension_semantics<core_parallel>, #tpu.dimension_semantics<subcore_parallel>], iteration_bounds = array<i64: 2, 16>, scalar_prefetch = 0 : i64, scratch_operands = 26 : i64, tpu.core_type = #tpu.core_type<sc_vector_subcore>, window_params = [{transform_indices = #map}, {transform_indices = #map}, {transform_indices = #map}, {transform_indices = #map}]} {
    %mul3A = arith.constant 2 : i32
    %mul3A_0 = arith.muli %arg1, %mul3A : i32
    %add3A = arith.addi %mul3A_0, %arg0 : i32
    %mul3A_1 = arith.constant 256 : i32
    %mul3A_2 = arith.muli %add3A, %mul3A_1 : i32
    %add3A_3 = arith.constant 0 : i32
    %add3A_4 = arith.addi %mul3A_2, %add3A_3 : i32
    %dma_start3A = arith.constant 0 : i32
    %dma_start3A_5 = tpu.memref_slice %arg2[%dma_start3A, %add3A_4] : memref<4x8192xi32, #tpu.memory_space<hbm>> -> memref<1x128xi32, #tpu.memory_space<hbm>>
    %dma_start3A_6 = tpu.memref_squeeze %dma_start3A_5 : memref<1x128xi32, #tpu.memory_space<hbm>> -> memref<128xi32, #tpu.memory_space<hbm>>
    %dma_start3A_7 = tpu.memref_slice %arg2[%dma_start3A, %add3A_4] : memref<4x8192xi32, #tpu.memory_space<hbm>> -> memref<1x128xi32, #tpu.memory_space<hbm>>
    %dma_start3A_8 = tpu.memref_squeeze %dma_start3A_7 : memref<1x128xi32, #tpu.memory_space<hbm>> -> memref<128xi32, #tpu.memory_space<hbm>>
    tpu.enqueue_dma source(%dma_start3A_8 : memref<128xi32, #tpu.memory_space<hbm>>) target(%arg6 : memref<128xi32, #tpu.memory_space<vmem>>) target_semaphore(%arg30 : memref<!tpu.dma_semaphore, #tpu.memory_space<semaphore_mem>>)
    %dma_wait3A = arith.constant 0 : i32
    %dma_wait3A_9 = tpu.memref_slice %arg2[%dma_wait3A, %add3A_4] : memref<4x8192xi32, #tpu.memory_space<hbm>> -> memref<1x128xi32, #tpu.memory_space<hbm>>
    %dma_wait3A_10 = tpu.memref_squeeze %dma_wait3A_9 : memref<1x128xi32, #tpu.memory_space<hbm>> -> memref<128xi32, #tpu.memory_space<hbm>>
    %dma_wait3A_11 = tpu.memref_slice %arg2[%dma_wait3A, %add3A_4] : memref<4x8192xi32, #tpu.memory_space<hbm>> -> memref<1x128xi32, #tpu.memory_space<hbm>>
    %dma_wait3A_12 = tpu.memref_squeeze %dma_wait3A_11 : memref<1x128xi32, #tpu.memory_space<hbm>> -> memref<128xi32, #tpu.memory_space<hbm>>
    tpu.wait_dma2 semaphore(%arg30 : memref<!tpu.dma_semaphore, #tpu.memory_space<semaphore_mem>>) src(%dma_wait3A_12 : memref<128xi32, #tpu.memory_space<hbm>>) dst(%arg6 : memref<128xi32, #tpu.memory_space<vmem>>)
    %dma_start3A_13 = arith.constant 0 : i32
    %dma_start3A_14 = arith.constant 0 : i32
    %dma_start3A_15 = tpu.memref_slice %arg3[%dma_start3A_13, %dma_start3A_14] : memref<100000x128xf32, #tpu.memory_space<hbm>> -> memref<100000x128xf32, #tpu.memory_space<hbm>>
    tpu.enqueue_indirect_dma source(%dma_start3A_15 : memref<100000x128xf32, #tpu.memory_space<hbm>>) target(%arg14 : memref<128x128xf32, #tpu.memory_space<vmem>>) offsets(%arg6 : memref<128xi32, #tpu.memory_space<vmem>>) semaphore(%arg20 : memref<!tpu.dma_semaphore, #tpu.memory_space<semaphore_mem>>)
    %dma_start3A_16 = arith.constant 0 : i32
    %dma_start3A_17 = arith.constant 0 : i32
    %dma_start3A_18 = tpu.memref_slice %arg19[%dma_start3A_16, %dma_start3A_17] : memref<256x128xf32, #tpu.memory_space<vmem>> -> memref<128x128xf32, #tpu.memory_space<vmem>>
    %dma_start3A_19 = arith.constant 0 : i32
    %dma_start3A_20 = tpu.memref_slice %arg4[%mul3A_2, %dma_start3A_19] : memref<8192x128xf32, #tpu.memory_space<hbm>> -> memref<128x128xf32, #tpu.memory_space<hbm>>
    %dma_start3A_21 = arith.constant 0 : i32
    %dma_start3A_22 = arith.constant 0 : i32
    %dma_start3A_23 = tpu.memref_slice %arg19[%dma_start3A_21, %dma_start3A_22] : memref<256x128xf32, #tpu.memory_space<vmem>> -> memref<128x128xf32, #tpu.memory_space<vmem>>
    %dma_start3A_24 = arith.constant 0 : i32
    %dma_start3A_25 = tpu.memref_slice %arg4[%mul3A_2, %dma_start3A_24] : memref<8192x128xf32, #tpu.memory_space<hbm>> -> memref<128x128xf32, #tpu.memory_space<hbm>>
    tpu.enqueue_dma source(%dma_start3A_25 : memref<128x128xf32, #tpu.memory_space<hbm>>) target(%dma_start3A_23 : memref<128x128xf32, #tpu.memory_space<vmem>>) target_semaphore(%arg31 : memref<!tpu.dma_semaphore, #tpu.memory_space<semaphore_mem>>)
    %add3A_26 = arith.constant 128 : i32
    %add3A_27 = arith.addi %mul3A_2, %add3A_26 : i32
    %dma_start3A_28 = arith.constant 0 : i32
    %dma_start3A_29 = tpu.memref_slice %arg2[%dma_start3A_28, %add3A_27] : memref<4x8192xi32, #tpu.memory_space<hbm>> -> memref<1x128xi32, #tpu.memory_space<hbm>>
    %dma_start3A_30 = tpu.memref_squeeze %dma_start3A_29 : memref<1x128xi32, #tpu.memory_space<hbm>> -> memref<128xi32, #tpu.memory_space<hbm>>
    %dma_start3A_31 = tpu.memref_slice %arg2[%dma_start3A_28, %add3A_27] : memref<4x8192xi32, #tpu.memory_space<hbm>> -> memref<1x128xi32, #tpu.memory_space<hbm>>
    %dma_start3A_32 = tpu.memref_squeeze %dma_start3A_31 : memref<1x128xi32, #tpu.memory_space<hbm>> -> memref<128xi32, #tpu.memory_space<hbm>>
    tpu.enqueue_dma source(%dma_start3A_32 : memref<128xi32, #tpu.memory_space<hbm>>) target(%arg7 : memref<128xi32, #tpu.memory_space<vmem>>) target_semaphore(%arg30 : memref<!tpu.dma_semaphore, #tpu.memory_space<semaphore_mem>>)
    %add3A_33 = arith.constant 0 : i32
    %add3A_34 = arith.addi %mul3A_2, %add3A_33 : i32
    %dma_start3A_35 = arith.constant 1 : i32
    %dma_start3A_36 = tpu.memref_slice %arg2[%dma_start3A_35, %add3A_34] : memref<4x8192xi32, #tpu.memory_space<hbm>> -> memref<1x128xi32, #tpu.memory_space<hbm>>
    %dma_start3A_37 = tpu.memref_squeeze %dma_start3A_36 : memref<1x128xi32, #tpu.memory_space<hbm>> -> memref<128xi32, #tpu.memory_space<hbm>>
    %dma_start3A_38 = tpu.memref_slice %arg2[%dma_start3A_35, %add3A_34] : memref<4x8192xi32, #tpu.memory_space<hbm>> -> memref<1x128xi32, #tpu.memory_space<hbm>>
    %dma_start3A_39 = tpu.memref_squeeze %dma_start3A_38 : memref<1x128xi32, #tpu.memory_space<hbm>> -> memref<128xi32, #tpu.memory_space<hbm>>
    tpu.enqueue_dma source(%dma_start3A_39 : memref<128xi32, #tpu.memory_space<hbm>>) target(%arg8 : memref<128xi32, #tpu.memory_space<vmem>>) target_semaphore(%arg30 : memref<!tpu.dma_semaphore, #tpu.memory_space<semaphore_mem>>)
    %add3A_40 = arith.constant 128 : i32
    %add3A_41 = arith.addi %mul3A_2, %add3A_40 : i32
    %dma_start3A_42 = arith.constant 1 : i32
    %dma_start3A_43 = tpu.memref_slice %arg2[%dma_start3A_42, %add3A_41] : memref<4x8192xi32, #tpu.memory_space<hbm>> -> memref<1x128xi32, #tpu.memory_space<hbm>>
    %dma_start3A_44 = tpu.memref_squeeze %dma_start3A_43 : memref<1x128xi32, #tpu.memory_space<hbm>> -> memref<128xi32, #tpu.memory_space<hbm>>
    %dma_start3A_45 = tpu.memref_slice %arg2[%dma_start3A_42, %add3A_41] : memref<4x8192xi32, #tpu.memory_space<hbm>> -> memref<1x128xi32, #tpu.memory_space<hbm>>
    %dma_start3A_46 = tpu.memref_squeeze %dma_start3A_45 : memref<1x128xi32, #tpu.memory_space<hbm>> -> memref<128xi32, #tpu.memory_space<hbm>>
    tpu.enqueue_dma source(%dma_start3A_46 : memref<128xi32, #tpu.memory_space<hbm>>) target(%arg9 : memref<128xi32, #tpu.memory_space<vmem>>) target_semaphore(%arg30 : memref<!tpu.dma_semaphore, #tpu.memory_space<semaphore_mem>>)
    %add3A_47 = arith.constant 0 : i32
    %add3A_48 = arith.addi %mul3A_2, %add3A_47 : i32
    %dma_start3A_49 = arith.constant 2 : i32
    %dma_start3A_50 = tpu.memref_slice %arg2[%dma_start3A_49, %add3A_48] : memref<4x8192xi32, #tpu.memory_space<hbm>> -> memref<1x128xi32, #tpu.memory_space<hbm>>
    %dma_start3A_51 = tpu.memref_squeeze %dma_start3A_50 : memref<1x128xi32, #tpu.memory_space<hbm>> -> memref<128xi32, #tpu.memory_space<hbm>>
    %dma_start3A_52 = tpu.memref_slice %arg2[%dma_start3A_49, %add3A_48] : memref<4x8192xi32, #tpu.memory_space<hbm>> -> memref<1x128xi32, #tpu.memory_space<hbm>>
    %dma_start3A_53 = tpu.memref_squeeze %dma_start3A_52 : memref<1x128xi32, #tpu.memory_space<hbm>> -> memref<128xi32, #tpu.memory_space<hbm>>
    tpu.enqueue_dma source(%dma_start3A_53 : memref<128xi32, #tpu.memory_space<hbm>>) target(%arg10 : memref<128xi32, #tpu.memory_space<vmem>>) target_semaphore(%arg30 : memref<!tpu.dma_semaphore, #tpu.memory_space<semaphore_mem>>)
    %add3A_54 = arith.constant 128 : i32
    %add3A_55 = arith.addi %mul3A_2, %add3A_54 : i32
    %dma_start3A_56 = arith.constant 2 : i32
    %dma_start3A_57 = tpu.memref_slice %arg2[%dma_start3A_56, %add3A_55] : memref<4x8192xi32, #tpu.memory_space<hbm>> -> memref<1x128xi32, #tpu.memory_space<hbm>>
    %dma_start3A_58 = tpu.memref_squeeze %dma_start3A_57 : memref<1x128xi32, #tpu.memory_space<hbm>> -> memref<128xi32, #tpu.memory_space<hbm>>
    %dma_start3A_59 = tpu.memref_slice %arg2[%dma_start3A_56, %add3A_55] : memref<4x8192xi32, #tpu.memory_space<hbm>> -> memref<1x128xi32, #tpu.memory_space<hbm>>
    %dma_start3A_60 = tpu.memref_squeeze %dma_start3A_59 : memref<1x128xi32, #tpu.memory_space<hbm>> -> memref<128xi32, #tpu.memory_space<hbm>>
    tpu.enqueue_dma source(%dma_start3A_60 : memref<128xi32, #tpu.memory_space<hbm>>) target(%arg11 : memref<128xi32, #tpu.memory_space<vmem>>) target_semaphore(%arg30 : memref<!tpu.dma_semaphore, #tpu.memory_space<semaphore_mem>>)
    %add3A_61 = arith.constant 0 : i32
    %add3A_62 = arith.addi %mul3A_2, %add3A_61 : i32
    %dma_start3A_63 = arith.constant 3 : i32
    %dma_start3A_64 = tpu.memref_slice %arg2[%dma_start3A_63, %add3A_62] : memref<4x8192xi32, #tpu.memory_space<hbm>> -> memref<1x128xi32, #tpu.memory_space<hbm>>
    %dma_start3A_65 = tpu.memref_squeeze %dma_start3A_64 : memref<1x128xi32, #tpu.memory_space<hbm>> -> memref<128xi32, #tpu.memory_space<hbm>>
    %dma_start3A_66 = tpu.memref_slice %arg2[%dma_start3A_63, %add3A_62] : memref<4x8192xi32, #tpu.memory_space<hbm>> -> memref<1x128xi32, #tpu.memory_space<hbm>>
    %dma_start3A_67 = tpu.memref_squeeze %dma_start3A_66 : memref<1x128xi32, #tpu.memory_space<hbm>> -> memref<128xi32, #tpu.memory_space<hbm>>
    tpu.enqueue_dma source(%dma_start3A_67 : memref<128xi32, #tpu.memory_space<hbm>>) target(%arg12 : memref<128xi32, #tpu.memory_space<vmem>>) target_semaphore(%arg30 : memref<!tpu.dma_semaphore, #tpu.memory_space<semaphore_mem>>)
    %add3A_68 = arith.constant 128 : i32
    %add3A_69 = arith.addi %mul3A_2, %add3A_68 : i32
    %dma_start3A_70 = arith.constant 3 : i32
    %dma_start3A_71 = tpu.memref_slice %arg2[%dma_start3A_70, %add3A_69] : memref<4x8192xi32, #tpu.memory_space<hbm>> -> memref<1x128xi32, #tpu.memory_space<hbm>>
    %dma_start3A_72 = tpu.memref_squeeze %dma_start3A_71 : memref<1x128xi32, #tpu.memory_space<hbm>> -> memref<128xi32, #tpu.memory_space<hbm>>
    %dma_start3A_73 = tpu.memref_slice %arg2[%dma_start3A_70, %add3A_69] : memref<4x8192xi32, #tpu.memory_space<hbm>> -> memref<1x128xi32, #tpu.memory_space<hbm>>
    %dma_start3A_74 = tpu.memref_squeeze %dma_start3A_73 : memref<1x128xi32, #tpu.memory_space<hbm>> -> memref<128xi32, #tpu.memory_space<hbm>>
    tpu.enqueue_dma source(%dma_start3A_74 : memref<128xi32, #tpu.memory_space<hbm>>) target(%arg13 : memref<128xi32, #tpu.memory_space<vmem>>) target_semaphore(%arg30 : memref<!tpu.dma_semaphore, #tpu.memory_space<semaphore_mem>>)
    %dma_wait3A_75 = arith.constant 0 : i32
    %dma_wait3A_76 = tpu.memref_slice %arg2[%dma_wait3A_75, %add3A_27] : memref<4x8192xi32, #tpu.memory_space<hbm>> -> memref<1x128xi32, #tpu.memory_space<hbm>>
    %dma_wait3A_77 = tpu.memref_squeeze %dma_wait3A_76 : memref<1x128xi32, #tpu.memory_space<hbm>> -> memref<128xi32, #tpu.memory_space<hbm>>
    %dma_wait3A_78 = tpu.memref_slice %arg2[%dma_wait3A_75, %add3A_27] : memref<4x8192xi32, #tpu.memory_space<hbm>> -> memref<1x128xi32, #tpu.memory_space<hbm>>
    %dma_wait3A_79 = tpu.memref_squeeze %dma_wait3A_78 : memref<1x128xi32, #tpu.memory_space<hbm>> -> memref<128xi32, #tpu.memory_space<hbm>>
    tpu.wait_dma2 semaphore(%arg30 : memref<!tpu.dma_semaphore, #tpu.memory_space<semaphore_mem>>) src(%dma_wait3A_79 : memref<128xi32, #tpu.memory_space<hbm>>) dst(%arg7 : memref<128xi32, #tpu.memory_space<vmem>>)
    %dma_wait3A_80 = arith.constant 1 : i32
    %dma_wait3A_81 = tpu.memref_slice %arg2[%dma_wait3A_80, %add3A_34] : memref<4x8192xi32, #tpu.memory_space<hbm>> -> memref<1x128xi32, #tpu.memory_space<hbm>>
    %dma_wait3A_82 = tpu.memref_squeeze %dma_wait3A_81 : memref<1x128xi32, #tpu.memory_space<hbm>> -> memref<128xi32, #tpu.memory_space<hbm>>
    %dma_wait3A_83 = tpu.memref_slice %arg2[%dma_wait3A_80, %add3A_34] : memref<4x8192xi32, #tpu.memory_space<hbm>> -> memref<1x128xi32, #tpu.memory_space<hbm>>
    %dma_wait3A_84 = tpu.memref_squeeze %dma_wait3A_83 : memref<1x128xi32, #tpu.memory_space<hbm>> -> memref<128xi32, #tpu.memory_space<hbm>>
    tpu.wait_dma2 semaphore(%arg30 : memref<!tpu.dma_semaphore, #tpu.memory_space<semaphore_mem>>) src(%dma_wait3A_84 : memref<128xi32, #tpu.memory_space<hbm>>) dst(%arg8 : memref<128xi32, #tpu.memory_space<vmem>>)
    %dma_wait3A_85 = arith.constant 1 : i32
    %dma_wait3A_86 = tpu.memref_slice %arg2[%dma_wait3A_85, %add3A_41] : memref<4x8192xi32, #tpu.memory_space<hbm>> -> memref<1x128xi32, #tpu.memory_space<hbm>>
    %dma_wait3A_87 = tpu.memref_squeeze %dma_wait3A_86 : memref<1x128xi32, #tpu.memory_space<hbm>> -> memref<128xi32, #tpu.memory_space<hbm>>
    %dma_wait3A_88 = tpu.memref_slice %arg2[%dma_wait3A_85, %add3A_41] : memref<4x8192xi32, #tpu.memory_space<hbm>> -> memref<1x128xi32, #tpu.memory_space<hbm>>
    %dma_wait3A_89 = tpu.memref_squeeze %dma_wait3A_88 : memref<1x128xi32, #tpu.memory_space<hbm>> -> memref<128xi32, #tpu.memory_space<hbm>>
    tpu.wait_dma2 semaphore(%arg30 : memref<!tpu.dma_semaphore, #tpu.memory_space<semaphore_mem>>) src(%dma_wait3A_89 : memref<128xi32, #tpu.memory_space<hbm>>) dst(%arg9 : memref<128xi32, #tpu.memory_space<vmem>>)
    %dma_wait3A_90 = arith.constant 2 : i32
    %dma_wait3A_91 = tpu.memref_slice %arg2[%dma_wait3A_90, %add3A_48] : memref<4x8192xi32, #tpu.memory_space<hbm>> -> memref<1x128xi32, #tpu.memory_space<hbm>>
    %dma_wait3A_92 = tpu.memref_squeeze %dma_wait3A_91 : memref<1x128xi32, #tpu.memory_space<hbm>> -> memref<128xi32, #tpu.memory_space<hbm>>
    %dma_wait3A_93 = tpu.memref_slice %arg2[%dma_wait3A_90, %add3A_48] : memref<4x8192xi32, #tpu.memory_space<hbm>> -> memref<1x128xi32, #tpu.memory_space<hbm>>
    %dma_wait3A_94 = tpu.memref_squeeze %dma_wait3A_93 : memref<1x128xi32, #tpu.memory_space<hbm>> -> memref<128xi32, #tpu.memory_space<hbm>>
    tpu.wait_dma2 semaphore(%arg30 : memref<!tpu.dma_semaphore, #tpu.memory_space<semaphore_mem>>) src(%dma_wait3A_94 : memref<128xi32, #tpu.memory_space<hbm>>) dst(%arg10 : memref<128xi32, #tpu.memory_space<vmem>>)
    %dma_wait3A_95 = arith.constant 2 : i32
    %dma_wait3A_96 = tpu.memref_slice %arg2[%dma_wait3A_95, %add3A_55] : memref<4x8192xi32, #tpu.memory_space<hbm>> -> memref<1x128xi32, #tpu.memory_space<hbm>>
    %dma_wait3A_97 = tpu.memref_squeeze %dma_wait3A_96 : memref<1x128xi32, #tpu.memory_space<hbm>> -> memref<128xi32, #tpu.memory_space<hbm>>
    %dma_wait3A_98 = tpu.memref_slice %arg2[%dma_wait3A_95, %add3A_55] : memref<4x8192xi32, #tpu.memory_space<hbm>> -> memref<1x128xi32, #tpu.memory_space<hbm>>
    %dma_wait3A_99 = tpu.memref_squeeze %dma_wait3A_98 : memref<1x128xi32, #tpu.memory_space<hbm>> -> memref<128xi32, #tpu.memory_space<hbm>>
    tpu.wait_dma2 semaphore(%arg30 : memref<!tpu.dma_semaphore, #tpu.memory_space<semaphore_mem>>) src(%dma_wait3A_99 : memref<128xi32, #tpu.memory_space<hbm>>) dst(%arg11 : memref<128xi32, #tpu.memory_space<vmem>>)
    %dma_wait3A_100 = arith.constant 3 : i32
    %dma_wait3A_101 = tpu.memref_slice %arg2[%dma_wait3A_100, %add3A_62] : memref<4x8192xi32, #tpu.memory_space<hbm>> -> memref<1x128xi32, #tpu.memory_space<hbm>>
    %dma_wait3A_102 = tpu.memref_squeeze %dma_wait3A_101 : memref<1x128xi32, #tpu.memory_space<hbm>> -> memref<128xi32, #tpu.memory_space<hbm>>
    %dma_wait3A_103 = tpu.memref_slice %arg2[%dma_wait3A_100, %add3A_62] : memref<4x8192xi32, #tpu.memory_space<hbm>> -> memref<1x128xi32, #tpu.memory_space<hbm>>
    %dma_wait3A_104 = tpu.memref_squeeze %dma_wait3A_103 : memref<1x128xi32, #tpu.memory_space<hbm>> -> memref<128xi32, #tpu.memory_space<hbm>>
    tpu.wait_dma2 semaphore(%arg30 : memref<!tpu.dma_semaphore, #tpu.memory_space<semaphore_mem>>) src(%dma_wait3A_104 : memref<128xi32, #tpu.memory_space<hbm>>) dst(%arg12 : memref<128xi32, #tpu.memory_space<vmem>>)
    %dma_wait3A_105 = arith.constant 3 : i32
    %dma_wait3A_106 = tpu.memref_slice %arg2[%dma_wait3A_105, %add3A_69] : memref<4x8192xi32, #tpu.memory_space<hbm>> -> memref<1x128xi32, #tpu.memory_space<hbm>>
    %dma_wait3A_107 = tpu.memref_squeeze %dma_wait3A_106 : memref<1x128xi32, #tpu.memory_space<hbm>> -> memref<128xi32, #tpu.memory_space<hbm>>
    %dma_wait3A_108 = tpu.memref_slice %arg2[%dma_wait3A_105, %add3A_69] : memref<4x8192xi32, #tpu.memory_space<hbm>> -> memref<1x128xi32, #tpu.memory_space<hbm>>
    %dma_wait3A_109 = tpu.memref_squeeze %dma_wait3A_108 : memref<1x128xi32, #tpu.memory_space<hbm>> -> memref<128xi32, #tpu.memory_space<hbm>>
    tpu.wait_dma2 semaphore(%arg30 : memref<!tpu.dma_semaphore, #tpu.memory_space<semaphore_mem>>) src(%dma_wait3A_109 : memref<128xi32, #tpu.memory_space<hbm>>) dst(%arg13 : memref<128xi32, #tpu.memory_space<vmem>>)
    %dma_start3A_110 = arith.constant 0 : i32
    %dma_start3A_111 = arith.constant 0 : i32
    %dma_start3A_112 = tpu.memref_slice %arg3[%dma_start3A_110, %dma_start3A_111] : memref<100000x128xf32, #tpu.memory_space<hbm>> -> memref<100000x128xf32, #tpu.memory_space<hbm>>
    tpu.enqueue_indirect_dma source(%dma_start3A_112 : memref<100000x128xf32, #tpu.memory_space<hbm>>) target(%arg15 : memref<128x128xf32, #tpu.memory_space<vmem>>) offsets(%arg7 : memref<128xi32, #tpu.memory_space<vmem>>) semaphore(%arg21 : memref<!tpu.dma_semaphore, #tpu.memory_space<semaphore_mem>>)
    %add3A_113 = arith.constant 128 : i32
    %add3A_114 = arith.addi %mul3A_2, %add3A_113 : i32
    %dma_start3A_115 = arith.constant 128 : i32
    %dma_start3A_116 = arith.constant 0 : i32
    %dma_start3A_117 = tpu.memref_slice %arg19[%dma_start3A_115, %dma_start3A_116] : memref<256x128xf32, #tpu.memory_space<vmem>> -> memref<128x128xf32, #tpu.memory_space<vmem>>
    %dma_start3A_118 = arith.constant 0 : i32
    %dma_start3A_119 = tpu.memref_slice %arg4[%add3A_114, %dma_start3A_118] : memref<8192x128xf32, #tpu.memory_space<hbm>> -> memref<128x128xf32, #tpu.memory_space<hbm>>
    %dma_start3A_120 = arith.constant 128 : i32
    %dma_start3A_121 = arith.constant 0 : i32
    %dma_start3A_122 = tpu.memref_slice %arg19[%dma_start3A_120, %dma_start3A_121] : memref<256x128xf32, #tpu.memory_space<vmem>> -> memref<128x128xf32, #tpu.memory_space<vmem>>
    %dma_start3A_123 = arith.constant 0 : i32
    %dma_start3A_124 = tpu.memref_slice %arg4[%add3A_114, %dma_start3A_123] : memref<8192x128xf32, #tpu.memory_space<hbm>> -> memref<128x128xf32, #tpu.memory_space<hbm>>
    tpu.enqueue_dma source(%dma_start3A_124 : memref<128x128xf32, #tpu.memory_space<hbm>>) target(%dma_start3A_122 : memref<128x128xf32, #tpu.memory_space<vmem>>) target_semaphore(%arg30 : memref<!tpu.dma_semaphore, #tpu.memory_space<semaphore_mem>>)
    %dma_start3A_125 = arith.constant 0 : i32
    %dma_start3A_126 = arith.constant 0 : i32
    %dma_start3A_127 = tpu.memref_slice %arg3[%dma_start3A_125, %dma_start3A_126] : memref<100000x128xf32, #tpu.memory_space<hbm>> -> memref<100000x128xf32, #tpu.memory_space<hbm>>
    tpu.enqueue_indirect_dma source(%dma_start3A_127 : memref<100000x128xf32, #tpu.memory_space<hbm>>) target(%arg16 : memref<128x128xf32, #tpu.memory_space<vmem>>) offsets(%arg8 : memref<128xi32, #tpu.memory_space<vmem>>) semaphore(%arg22 : memref<!tpu.dma_semaphore, #tpu.memory_space<semaphore_mem>>)
    %dma_wait3A_128 = arith.constant 0 : i32
    %dma_wait3A_129 = arith.constant 0 : i32
    %dma_wait3A_130 = tpu.memref_slice %arg19[%dma_wait3A_128, %dma_wait3A_129] : memref<256x128xf32, #tpu.memory_space<vmem>> -> memref<128x128xf32, #tpu.memory_space<vmem>>
    %dma_wait3A_131 = arith.constant 0 : i32
    %dma_wait3A_132 = tpu.memref_slice %arg4[%mul3A_2, %dma_wait3A_131] : memref<8192x128xf32, #tpu.memory_space<hbm>> -> memref<128x128xf32, #tpu.memory_space<hbm>>
    %dma_wait3A_133 = arith.constant 0 : i32
    %dma_wait3A_134 = arith.constant 0 : i32
    %dma_wait3A_135 = tpu.memref_slice %arg19[%dma_wait3A_133, %dma_wait3A_134] : memref<256x128xf32, #tpu.memory_space<vmem>> -> memref<128x128xf32, #tpu.memory_space<vmem>>
    %dma_wait3A_136 = arith.constant 0 : i32
    %dma_wait3A_137 = tpu.memref_slice %arg4[%mul3A_2, %dma_wait3A_136] : memref<8192x128xf32, #tpu.memory_space<hbm>> -> memref<128x128xf32, #tpu.memory_space<hbm>>
    tpu.wait_dma2 semaphore(%arg31 : memref<!tpu.dma_semaphore, #tpu.memory_space<semaphore_mem>>) src(%dma_wait3A_137 : memref<128x128xf32, #tpu.memory_space<hbm>>) dst(%dma_wait3A_135 : memref<128x128xf32, #tpu.memory_space<vmem>>)
    %dma_wait3A_138 = arith.constant 0 : i32
    %dma_wait3A_139 = arith.constant 0 : i32
    %dma_wait3A_140 = tpu.memref_slice %arg3[%dma_wait3A_138, %dma_wait3A_139] : memref<100000x128xf32, #tpu.memory_space<hbm>> -> memref<100000x128xf32, #tpu.memory_space<hbm>>
    tpu.wait_indirect_dma semaphore(%arg20 : memref<!tpu.dma_semaphore, #tpu.memory_space<semaphore_mem>>) src(%dma_wait3A_140 : memref<100000x128xf32, #tpu.memory_space<hbm>>) dst(%arg14 : memref<128x128xf32, #tpu.memory_space<vmem>>)
    %scan3A = arith.constant 0 : i32
    %scan3A_141 = arith.constant 0 : i32
    %scan3A_142 = arith.constant 128 : i32
    %scan3A_143 = arith.addi %scan3A_141, %scan3A_142 : i32
    %scan3A_144 = arith.constant 1 : i32
    %scan3A_145 = scf.for %scan3A_338 = %scan3A_141 to %scan3A_143 step %scan3A_144 iter_args(%scan3A_339 = %scan3A) -> (i32)  : i32 {
      %add3A_340 = arith.constant 0 : i32
      %add3A_341 = arith.addi %add3A_340, %scan3A_338 : i32
      %get3A = arith.index_cast %add3A_341 : i32 to index
      %get3A_342 = arith.constant 0 : index
      %get3A_343 = tpu.vector_load %arg19[%get3A, %get3A_342] {strides = array<i32>} : memref<256x128xf32, #tpu.memory_space<vmem>>, vector<1x16xf32>,
      %get3A_344 = vector.shape_cast %get3A_343 : vector<1x16xf32> to vector<16xf32>
      %swap3A = arith.index_cast %scan3A_338 : i32 to index
      %swap3A_345 = arith.constant 0 : index
      %swap3A_346 = tpu.vector_load %arg14[%swap3A, %swap3A_345] {strides = array<i32>} : memref<128x128xf32, #tpu.memory_space<vmem>>, vector<1x16xf32>,
      %swap3A_347 = vector.shape_cast %swap3A_346 : vector<1x16xf32> to vector<16xf32>
      %swap3A_348 = vector.shape_cast %get3A_344 : vector<16xf32> to vector<1x16xf32>
      tpu.vector_store %arg14[%swap3A, %swap3A_345], %swap3A_348 {add = true, strides = array<i32>} : memref<128x128xf32, #tpu.memory_space<vmem>>, vector<1x16xf32>,
      %add3A_349 = arith.constant 0 : i32
      %add3A_350 = arith.addi %add3A_349, %scan3A_338 : i32
      %get3A_351 = arith.index_cast %add3A_350 : i32 to index
      %get3A_352 = arith.constant 16 : index
      %get3A_353 = tpu.vector_load %arg19[%get3A_351, %get3A_352] {strides = array<i32>} : memref<256x128xf32, #tpu.memory_space<vmem>>, vector<1x16xf32>,
      %get3A_354 = vector.shape_cast %get3A_353 : vector<1x16xf32> to vector<16xf32>
      %swap3A_355 = arith.index_cast %scan3A_338 : i32 to index
      %swap3A_356 = arith.constant 16 : index
      %swap3A_357 = tpu.vector_load %arg14[%swap3A_355, %swap3A_356] {strides = array<i32>} : memref<128x128xf32, #tpu.memory_space<vmem>>, vector<1x16xf32>,
      %swap3A_358 = vector.shape_cast %swap3A_357 : vector<1x16xf32> to vector<16xf32>
      %swap3A_359 = vector.shape_cast %get3A_354 : vector<16xf32> to vector<1x16xf32>
      tpu.vector_store %arg14[%swap3A_355, %swap3A_356], %swap3A_359 {add = true, strides = array<i32>} : memref<128x128xf32, #tpu.memory_space<vmem>>, vector<1x16xf32>,
      %add3A_360 = arith.constant 0 : i32
      %add3A_361 = arith.addi %add3A_360, %scan3A_338 : i32
      %get3A_362 = arith.index_cast %add3A_361 : i32 to index
      %get3A_363 = arith.constant 32 : index
      %get3A_364 = tpu.vector_load %arg19[%get3A_362, %get3A_363] {strides = array<i32>} : memref<256x128xf32, #tpu.memory_space<vmem>>, vector<1x16xf32>,
      %get3A_365 = vector.shape_cast %get3A_364 : vector<1x16xf32> to vector<16xf32>
      %swap3A_366 = arith.index_cast %scan3A_338 : i32 to index
      %swap3A_367 = arith.constant 32 : index
      %swap3A_368 = tpu.vector_load %arg14[%swap3A_366, %swap3A_367] {strides = array<i32>} : memref<128x128xf32, #tpu.memory_space<vmem>>, vector<1x16xf32>,
      %swap3A_369 = vector.shape_cast %swap3A_368 : vector<1x16xf32> to vector<16xf32>
      %swap3A_370 = vector.shape_cast %get3A_365 : vector<16xf32> to vector<1x16xf32>
      tpu.vector_store %arg14[%swap3A_366, %swap3A_367], %swap3A_370 {add = true, strides = array<i32>} : memref<128x128xf32, #tpu.memory_space<vmem>>, vector<1x16xf32>,
      %add3A_371 = arith.constant 0 : i32
      %add3A_372 = arith.addi %add3A_371, %scan3A_338 : i32
      %get3A_373 = arith.index_cast %add3A_372 : i32 to index
      %get3A_374 = arith.constant 48 : index
      %get3A_375 = tpu.vector_load %arg19[%get3A_373, %get3A_374] {strides = array<i32>} : memref<256x128xf32, #tpu.memory_space<vmem>>, vector<1x16xf32>,
      %get3A_376 = vector.shape_cast %get3A_375 : vector<1x16xf32> to vector<16xf32>
      %swap3A_377 = arith.index_cast %scan3A_338 : i32 to index
      %swap3A_378 = arith.constant 48 : index
      %swap3A_379 = tpu.vector_load %arg14[%swap3A_377, %swap3A_378] {strides = array<i32>} : memref<128x128xf32, #tpu.memory_space<vmem>>, vector<1x16xf32>,
      %swap3A_380 = vector.shape_cast %swap3A_379 : vector<1x16xf32> to vector<16xf32>
      %swap3A_381 = vector.shape_cast %get3A_376 : vector<16xf32> to vector<1x16xf32>
      tpu.vector_store %arg14[%swap3A_377, %swap3A_378], %swap3A_381 {add = true, strides = array<i32>} : memref<128x128xf32, #tpu.memory_space<vmem>>, vector<1x16xf32>,
      %add3A_382 = arith.constant 0 : i32
      %add3A_383 = arith.addi %add3A_382, %scan3A_338 : i32
      %get3A_384 = arith.index_cast %add3A_383 : i32 to index
      %get3A_385 = arith.constant 64 : index
      %get3A_386 = tpu.vector_load %arg19[%get3A_384, %get3A_385] {strides = array<i32>} : memref<256x128xf32, #tpu.memory_space<vmem>>, vector<1x16xf32>,
      %get3A_387 = vector.shape_cast %get3A_386 : vector<1x16xf32> to vector<16xf32>
      %swap3A_388 = arith.index_cast %scan3A_338 : i32 to index
      %swap3A_389 = arith.constant 64 : index
      %swap3A_390 = tpu.vector_load %arg14[%swap3A_388, %swap3A_389] {strides = array<i32>} : memref<128x128xf32, #tpu.memory_space<vmem>>, vector<1x16xf32>,
      %swap3A_391 = vector.shape_cast %swap3A_390 : vector<1x16xf32> to vector<16xf32>
      %swap3A_392 = vector.shape_cast %get3A_387 : vector<16xf32> to vector<1x16xf32>
      tpu.vector_store %arg14[%swap3A_388, %swap3A_389], %swap3A_392 {add = true, strides = array<i32>} : memref<128x128xf32, #tpu.memory_space<vmem>>, vector<1x16xf32>,
      %add3A_393 = arith.constant 0 : i32
      %add3A_394 = arith.addi %add3A_393, %scan3A_338 : i32
      %get3A_395 = arith.index_cast %add3A_394 : i32 to index
      %get3A_396 = arith.constant 80 : index
      %get3A_397 = tpu.vector_load %arg19[%get3A_395, %get3A_396] {strides = array<i32>} : memref<256x128xf32, #tpu.memory_space<vmem>>, vector<1x16xf32>,
      %get3A_398 = vector.shape_cast %get3A_397 : vector<1x16xf32> to vector<16xf32>
      %swap3A_399 = arith.index_cast %scan3A_338 : i32 to index
      %swap3A_400 = arith.constant 80 : index
      %swap3A_401 = tpu.vector_load %arg14[%swap3A_399, %swap3A_400] {strides = array<i32>} : memref<128x128xf32, #tpu.memory_space<vmem>>, vector<1x16xf32>,
      %swap3A_402 = vector.shape_cast %swap3A_401 : vector<1x16xf32> to vector<16xf32>
      %swap3A_403 = vector.shape_cast %get3A_398 : vector<16xf32> to vector<1x16xf32>
      tpu.vector_store %arg14[%swap3A_399, %swap3A_400], %swap3A_403 {add = true, strides = array<i32>} : memref<128x128xf32, #tpu.memory_space<vmem>>, vector<1x16xf32>,
      %add3A_404 = arith.constant 0 : i32
      %add3A_405 = arith.addi %add3A_404, %scan3A_338 : i32
      %get3A_406 = arith.index_cast %add3A_405 : i32 to index
      %get3A_407 = arith.constant 96 : index
      %get3A_408 = tpu.vector_load %arg19[%get3A_406, %get3A_407] {strides = array<i32>} : memref<256x128xf32, #tpu.memory_space<vmem>>, vector<1x16xf32>,
      %get3A_409 = vector.shape_cast %get3A_408 : vector<1x16xf32> to vector<16xf32>
      %swap3A_410 = arith.index_cast %scan3A_338 : i32 to index
      %swap3A_411 = arith.constant 96 : index
      %swap3A_412 = tpu.vector_load %arg14[%swap3A_410, %swap3A_411] {strides = array<i32>} : memref<128x128xf32, #tpu.memory_space<vmem>>, vector<1x16xf32>,
      %swap3A_413 = vector.shape_cast %swap3A_412 : vector<1x16xf32> to vector<16xf32>
      %swap3A_414 = vector.shape_cast %get3A_409 : vector<16xf32> to vector<1x16xf32>
      tpu.vector_store %arg14[%swap3A_410, %swap3A_411], %swap3A_414 {add = true, strides = array<i32>} : memref<128x128xf32, #tpu.memory_space<vmem>>, vector<1x16xf32>,
      %add3A_415 = arith.constant 0 : i32
      %add3A_416 = arith.addi %add3A_415, %scan3A_338 : i32
      %get3A_417 = arith.index_cast %add3A_416 : i32 to index
      %get3A_418 = arith.constant 112 : index
      %get3A_419 = tpu.vector_load %arg19[%get3A_417, %get3A_418] {strides = array<i32>} : memref<256x128xf32, #tpu.memory_space<vmem>>, vector<1x16xf32>,
      %get3A_420 = vector.shape_cast %get3A_419 : vector<1x16xf32> to vector<16xf32>
      %swap3A_421 = arith.index_cast %scan3A_338 : i32 to index
      %swap3A_422 = arith.constant 112 : index
      %swap3A_423 = tpu.vector_load %arg14[%swap3A_421, %swap3A_422] {strides = array<i32>} : memref<128x128xf32, #tpu.memory_space<vmem>>, vector<1x16xf32>,
      %swap3A_424 = vector.shape_cast %swap3A_423 : vector<1x16xf32> to vector<16xf32>
      %swap3A_425 = vector.shape_cast %get3A_420 : vector<16xf32> to vector<1x16xf32>
      tpu.vector_store %arg14[%swap3A_421, %swap3A_422], %swap3A_425 {add = true, strides = array<i32>} : memref<128x128xf32, #tpu.memory_space<vmem>>, vector<1x16xf32>,
      %scan3A_426 = arith.constant 0 : i32
      scf.yield %scan3A_426 : i32
    }
    %scan3A_146 = arith.constant 128 : i32
    %add3A_147 = arith.constant 0 : i32
    %add3A_148 = arith.addi %add3A_147, %mul3A_2 : i32
    %add3A_149 = arith.constant 0 : i32
    %add3A_150 = arith.addi %add3A_148, %add3A_149 : i32
    %dma_start3A_151 = arith.constant 0 : i32
    %dma_start3A_152 = tpu.memref_slice %arg5[%add3A_150, %dma_start3A_151] : memref<32768x128xf32, #tpu.memory_space<hbm>> -> memref<128x128xf32, #tpu.memory_space<hbm>>
    %dma_start3A_153 = arith.constant 0 : i32
    %dma_start3A_154 = tpu.memref_slice %arg5[%add3A_150, %dma_start3A_153] : memref<32768x128xf32, #tpu.memory_space<hbm>> -> memref<128x128xf32, #tpu.memory_space<hbm>>
    tpu.enqueue_dma source(%arg14 : memref<128x128xf32, #tpu.memory_space<vmem>>) target(%dma_start3A_154 : memref<128x128xf32, #tpu.memory_space<hbm>>) target_semaphore(%arg25 : memref<!tpu.dma_semaphore, #tpu.memory_space<semaphore_mem>>)
    %dma_start3A_155 = arith.constant 0 : i32
    %dma_start3A_156 = arith.constant 0 : i32
    %dma_start3A_157 = tpu.memref_slice %arg3[%dma_start3A_155, %dma_start3A_156] : memref<100000x128xf32, #tpu.memory_space<hbm>> -> memref<100000x128xf32, #tpu.memory_space<hbm>>
    tpu.enqueue_indirect_dma source(%dma_start3A_157 : memref<100000x128xf32, #tpu.memory_space<hbm>>) target(%arg17 : memref<128x128xf32, #tpu.memory_space<vmem>>) offsets(%arg9 : memref<128xi32, #tpu.memory_space<vmem>>) semaphore(%arg23 : memref<!tpu.dma_semaphore, #tpu.memory_space<semaphore_mem>>)
    %dma_wait3A_158 = arith.constant 128 : i32
    %dma_wait3A_159 = arith.constant 0 : i32
    %dma_wait3A_160 = tpu.memref_slice %arg19[%dma_wait3A_158, %dma_wait3A_159] : memref<256x128xf32, #tpu.memory_space<vmem>> -> memref<128x128xf32, #tpu.memory_space<vmem>>
    %dma_wait3A_161 = arith.constant 0 : i32
    %dma_wait3A_162 = tpu.memref_slice %arg4[%add3A_114, %dma_wait3A_161] : memref<8192x128xf32, #tpu.memory_space<hbm>> -> memref<128x128xf32, #tpu.memory_space<hbm>>
    %dma_wait3A_163 = arith.constant 128 : i32
    %dma_wait3A_164 = arith.constant 0 : i32
    %dma_wait3A_165 = tpu.memref_slice %arg19[%dma_wait3A_163, %dma_wait3A_164] : memref<256x128xf32, #tpu.memory_space<vmem>> -> memref<128x128xf32, #tpu.memory_space<vmem>>
    %dma_wait3A_166 = arith.constant 0 : i32
    %dma_wait3A_167 = tpu.memref_slice %arg4[%add3A_114, %dma_wait3A_166] : memref<8192x128xf32, #tpu.memory_space<hbm>> -> memref<128x128xf32, #tpu.memory_space<hbm>>
    tpu.wait_dma2 semaphore(%arg30 : memref<!tpu.dma_semaphore, #tpu.memory_space<semaphore_mem>>) src(%dma_wait3A_167 : memref<128x128xf32, #tpu.memory_space<hbm>>) dst(%dma_wait3A_165 : memref<128x128xf32, #tpu.memory_space<vmem>>)
    %dma_wait3A_168 = arith.constant 0 : i32
    %dma_wait3A_169 = arith.constant 0 : i32
    %dma_wait3A_170 = tpu.memref_slice %arg3[%dma_wait3A_168, %dma_wait3A_169] : memref<100000x128xf32, #tpu.memory_space<hbm>> -> memref<100000x128xf32, #tpu.memory_space<hbm>>
    tpu.wait_indirect_dma semaphore(%arg21 : memref<!tpu.dma_semaphore, #tpu.memory_space<semaphore_mem>>) src(%dma_wait3A_170 : memref<100000x128xf32, #tpu.memory_space<hbm>>) dst(%arg15 : memref<128x128xf32, #tpu.memory_space<vmem>>)
    %scan3A_171 = arith.constant 0 : i32
    %scan3A_172 = arith.constant 0 : i32
    %scan3A_173 = arith.constant 128 : i32
    %scan3A_174 = arith.addi %scan3A_172, %scan3A_173 : i32
    %scan3A_175 = arith.constant 1 : i32
    %scan3A_176 = scf.for %scan3A_338 = %scan3A_172 to %scan3A_174 step %scan3A_175 iter_args(%scan3A_339 = %scan3A_171) -> (i32)  : i32 {
      %add3A_340 = arith.constant 128 : i32
      %add3A_341 = arith.addi %add3A_340, %scan3A_338 : i32
      %get3A = arith.index_cast %add3A_341 : i32 to index
      %get3A_342 = arith.constant 0 : index
      %get3A_343 = tpu.vector_load %arg19[%get3A, %get3A_342] {strides = array<i32>} : memref<256x128xf32, #tpu.memory_space<vmem>>, vector<1x16xf32>,
      %get3A_344 = vector.shape_cast %get3A_343 : vector<1x16xf32> to vector<16xf32>
      %swap3A = arith.index_cast %scan3A_338 : i32 to index
      %swap3A_345 = arith.constant 0 : index
      %swap3A_346 = tpu.vector_load %arg15[%swap3A, %swap3A_345] {strides = array<i32>} : memref<128x128xf32, #tpu.memory_space<vmem>>, vector<1x16xf32>,
      %swap3A_347 = vector.shape_cast %swap3A_346 : vector<1x16xf32> to vector<16xf32>
      %swap3A_348 = vector.shape_cast %get3A_344 : vector<16xf32> to vector<1x16xf32>
      tpu.vector_store %arg15[%swap3A, %swap3A_345], %swap3A_348 {add = true, strides = array<i32>} : memref<128x128xf32, #tpu.memory_space<vmem>>, vector<1x16xf32>,
      %add3A_349 = arith.constant 128 : i32
      %add3A_350 = arith.addi %add3A_349, %scan3A_338 : i32
      %get3A_351 = arith.index_cast %add3A_350 : i32 to index
      %get3A_352 = arith.constant 16 : index
      %get3A_353 = tpu.vector_load %arg19[%get3A_351, %get3A_352] {strides = array<i32>} : memref<256x128xf32, #tpu.memory_space<vmem>>, vector<1x16xf32>,
      %get3A_354 = vector.shape_cast %get3A_353 : vector<1x16xf32> to vector<16xf32>
      %swap3A_355 = arith.index_cast %scan3A_338 : i32 to index
      %swap3A_356 = arith.constant 16 : index
      %swap3A_357 = tpu.vector_load %arg15[%swap3A_355, %swap3A_356] {strides = array<i32>} : memref<128x128xf32, #tpu.memory_space<vmem>>, vector<1x16xf32>,
      %swap3A_358 = vector.shape_cast %swap3A_357 : vector<1x16xf32> to vector<16xf32>
      %swap3A_359 = vector.shape_cast %get3A_354 : vector<16xf32> to vector<1x16xf32>
      tpu.vector_store %arg15[%swap3A_355, %swap3A_356], %swap3A_359 {add = true, strides = array<i32>} : memref<128x128xf32, #tpu.memory_space<vmem>>, vector<1x16xf32>,
      %add3A_360 = arith.constant 128 : i32
      %add3A_361 = arith.addi %add3A_360, %scan3A_338 : i32
      %get3A_362 = arith.index_cast %add3A_361 : i32 to index
      %get3A_363 = arith.constant 32 : index
      %get3A_364 = tpu.vector_load %arg19[%get3A_362, %get3A_363] {strides = array<i32>} : memref<256x128xf32, #tpu.memory_space<vmem>>, vector<1x16xf32>,
      %get3A_365 = vector.shape_cast %get3A_364 : vector<1x16xf32> to vector<16xf32>
      %swap3A_366 = arith.index_cast %scan3A_338 : i32 to index
      %swap3A_367 = arith.constant 32 : index
      %swap3A_368 = tpu.vector_load %arg15[%swap3A_366, %swap3A_367] {strides = array<i32>} : memref<128x128xf32, #tpu.memory_space<vmem>>, vector<1x16xf32>,
      %swap3A_369 = vector.shape_cast %swap3A_368 : vector<1x16xf32> to vector<16xf32>
      %swap3A_370 = vector.shape_cast %get3A_365 : vector<16xf32> to vector<1x16xf32>
      tpu.vector_store %arg15[%swap3A_366, %swap3A_367], %swap3A_370 {add = true, strides = array<i32>} : memref<128x128xf32, #tpu.memory_space<vmem>>, vector<1x16xf32>,
      %add3A_371 = arith.constant 128 : i32
      %add3A_372 = arith.addi %add3A_371, %scan3A_338 : i32
      %get3A_373 = arith.index_cast %add3A_372 : i32 to index
      %get3A_374 = arith.constant 48 : index
      %get3A_375 = tpu.vector_load %arg19[%get3A_373, %get3A_374] {strides = array<i32>} : memref<256x128xf32, #tpu.memory_space<vmem>>, vector<1x16xf32>,
      %get3A_376 = vector.shape_cast %get3A_375 : vector<1x16xf32> to vector<16xf32>
      %swap3A_377 = arith.index_cast %scan3A_338 : i32 to index
      %swap3A_378 = arith.constant 48 : index
      %swap3A_379 = tpu.vector_load %arg15[%swap3A_377, %swap3A_378] {strides = array<i32>} : memref<128x128xf32, #tpu.memory_space<vmem>>, vector<1x16xf32>,
      %swap3A_380 = vector.shape_cast %swap3A_379 : vector<1x16xf32> to vector<16xf32>
      %swap3A_381 = vector.shape_cast %get3A_376 : vector<16xf32> to vector<1x16xf32>
      tpu.vector_store %arg15[%swap3A_377, %swap3A_378], %swap3A_381 {add = true, strides = array<i32>} : memref<128x128xf32, #tpu.memory_space<vmem>>, vector<1x16xf32>,
      %add3A_382 = arith.constant 128 : i32
      %add3A_383 = arith.addi %add3A_382, %scan3A_338 : i32
      %get3A_384 = arith.index_cast %add3A_383 : i32 to index
      %get3A_385 = arith.constant 64 : index
      %get3A_386 = tpu.vector_load %arg19[%get3A_384, %get3A_385] {strides = array<i32>} : memref<256x128xf32, #tpu.memory_space<vmem>>, vector<1x16xf32>,
      %get3A_387 = vector.shape_cast %get3A_386 : vector<1x16xf32> to vector<16xf32>
      %swap3A_388 = arith.index_cast %scan3A_338 : i32 to index
      %swap3A_389 = arith.constant 64 : index
      %swap3A_390 = tpu.vector_load %arg15[%swap3A_388, %swap3A_389] {strides = array<i32>} : memref<128x128xf32, #tpu.memory_space<vmem>>, vector<1x16xf32>,
      %swap3A_391 = vector.shape_cast %swap3A_390 : vector<1x16xf32> to vector<16xf32>
      %swap3A_392 = vector.shape_cast %get3A_387 : vector<16xf32> to vector<1x16xf32>
      tpu.vector_store %arg15[%swap3A_388, %swap3A_389], %swap3A_392 {add = true, strides = array<i32>} : memref<128x128xf32, #tpu.memory_space<vmem>>, vector<1x16xf32>,
      %add3A_393 = arith.constant 128 : i32
      %add3A_394 = arith.addi %add3A_393, %scan3A_338 : i32
      %get3A_395 = arith.index_cast %add3A_394 : i32 to index
      %get3A_396 = arith.constant 80 : index
      %get3A_397 = tpu.vector_load %arg19[%get3A_395, %get3A_396] {strides = array<i32>} : memref<256x128xf32, #tpu.memory_space<vmem>>, vector<1x16xf32>,
      %get3A_398 = vector.shape_cast %get3A_397 : vector<1x16xf32> to vector<16xf32>
      %swap3A_399 = arith.index_cast %scan3A_338 : i32 to index
      %swap3A_400 = arith.constant 80 : index
      %swap3A_401 = tpu.vector_load %arg15[%swap3A_399, %swap3A_400] {strides = array<i32>} : memref<128x128xf32, #tpu.memory_space<vmem>>, vector<1x16xf32>,
      %swap3A_402 = vector.shape_cast %swap3A_401 : vector<1x16xf32> to vector<16xf32>
      %swap3A_403 = vector.shape_cast %get3A_398 : vector<16xf32> to vector<1x16xf32>
      tpu.vector_store %arg15[%swap3A_399, %swap3A_400], %swap3A_403 {add = true, strides = array<i32>} : memref<128x128xf32, #tpu.memory_space<vmem>>, vector<1x16xf32>,
      %add3A_404 = arith.constant 128 : i32
      %add3A_405 = arith.addi %add3A_404, %scan3A_338 : i32
      %get3A_406 = arith.index_cast %add3A_405 : i32 to index
      %get3A_407 = arith.constant 96 : index
      %get3A_408 = tpu.vector_load %arg19[%get3A_406, %get3A_407] {strides = array<i32>} : memref<256x128xf32, #tpu.memory_space<vmem>>, vector<1x16xf32>,
      %get3A_409 = vector.shape_cast %get3A_408 : vector<1x16xf32> to vector<16xf32>
      %swap3A_410 = arith.index_cast %scan3A_338 : i32 to index
      %swap3A_411 = arith.constant 96 : index
      %swap3A_412 = tpu.vector_load %arg15[%swap3A_410, %swap3A_411] {strides = array<i32>} : memref<128x128xf32, #tpu.memory_space<vmem>>, vector<1x16xf32>,
      %swap3A_413 = vector.shape_cast %swap3A_412 : vector<1x16xf32> to vector<16xf32>
      %swap3A_414 = vector.shape_cast %get3A_409 : vector<16xf32> to vector<1x16xf32>
      tpu.vector_store %arg15[%swap3A_410, %swap3A_411], %swap3A_414 {add = true, strides = array<i32>} : memref<128x128xf32, #tpu.memory_space<vmem>>, vector<1x16xf32>,
      %add3A_415 = arith.constant 128 : i32
      %add3A_416 = arith.addi %add3A_415, %scan3A_338 : i32
      %get3A_417 = arith.index_cast %add3A_416 : i32 to index
      %get3A_418 = arith.constant 112 : index
      %get3A_419 = tpu.vector_load %arg19[%get3A_417, %get3A_418] {strides = array<i32>} : memref<256x128xf32, #tpu.memory_space<vmem>>, vector<1x16xf32>,
      %get3A_420 = vector.shape_cast %get3A_419 : vector<1x16xf32> to vector<16xf32>
      %swap3A_421 = arith.index_cast %scan3A_338 : i32 to index
      %swap3A_422 = arith.constant 112 : index
      %swap3A_423 = tpu.vector_load %arg15[%swap3A_421, %swap3A_422] {strides = array<i32>} : memref<128x128xf32, #tpu.memory_space<vmem>>, vector<1x16xf32>,
      %swap3A_424 = vector.shape_cast %swap3A_423 : vector<1x16xf32> to vector<16xf32>
      %swap3A_425 = vector.shape_cast %get3A_420 : vector<16xf32> to vector<1x16xf32>
      tpu.vector_store %arg15[%swap3A_421, %swap3A_422], %swap3A_425 {add = true, strides = array<i32>} : memref<128x128xf32, #tpu.memory_space<vmem>>, vector<1x16xf32>,
      %scan3A_426 = arith.constant 0 : i32
      scf.yield %scan3A_426 : i32
    }
    %scan3A_177 = arith.constant 128 : i32
    %add3A_178 = arith.constant 0 : i32
    %add3A_179 = arith.addi %add3A_178, %mul3A_2 : i32
    %add3A_180 = arith.constant 128 : i32
    %add3A_181 = arith.addi %add3A_179, %add3A_180 : i32
    %dma_start3A_182 = arith.constant 0 : i32
    %dma_start3A_183 = tpu.memref_slice %arg5[%add3A_181, %dma_start3A_182] : memref<32768x128xf32, #tpu.memory_space<hbm>> -> memref<128x128xf32, #tpu.memory_space<hbm>>
    %dma_start3A_184 = arith.constant 0 : i32
    %dma_start3A_185 = tpu.memref_slice %arg5[%add3A_181, %dma_start3A_184] : memref<32768x128xf32, #tpu.memory_space<hbm>> -> memref<128x128xf32, #tpu.memory_space<hbm>>
    tpu.enqueue_dma source(%arg15 : memref<128x128xf32, #tpu.memory_space<vmem>>) target(%dma_start3A_185 : memref<128x128xf32, #tpu.memory_space<hbm>>) target_semaphore(%arg26 : memref<!tpu.dma_semaphore, #tpu.memory_space<semaphore_mem>>)
    %dma_start3A_186 = arith.constant 0 : i32
    %dma_start3A_187 = arith.constant 0 : i32
    %dma_start3A_188 = tpu.memref_slice %arg3[%dma_start3A_186, %dma_start3A_187] : memref<100000x128xf32, #tpu.memory_space<hbm>> -> memref<100000x128xf32, #tpu.memory_space<hbm>>
    tpu.enqueue_indirect_dma source(%dma_start3A_188 : memref<100000x128xf32, #tpu.memory_space<hbm>>) target(%arg18 : memref<128x128xf32, #tpu.memory_space<vmem>>) offsets(%arg10 : memref<128xi32, #tpu.memory_space<vmem>>) semaphore(%arg24 : memref<!tpu.dma_semaphore, #tpu.memory_space<semaphore_mem>>)
    %dma_wait3A_189 = arith.constant 0 : i32
    %dma_wait3A_190 = arith.constant 0 : i32
    %dma_wait3A_191 = tpu.memref_slice %arg3[%dma_wait3A_189, %dma_wait3A_190] : memref<100000x128xf32, #tpu.memory_space<hbm>> -> memref<100000x128xf32, #tpu.memory_space<hbm>>
    tpu.wait_indirect_dma semaphore(%arg22 : memref<!tpu.dma_semaphore, #tpu.memory_space<semaphore_mem>>) src(%dma_wait3A_191 : memref<100000x128xf32, #tpu.memory_space<hbm>>) dst(%arg16 : memref<128x128xf32, #tpu.memory_space<vmem>>)
    %scan3A_192 = arith.constant 0 : i32
    %scan3A_193 = arith.constant 0 : i32
    %scan3A_194 = arith.constant 128 : i32
    %scan3A_195 = arith.addi %scan3A_193, %scan3A_194 : i32
    %scan3A_196 = arith.constant 1 : i32
    %scan3A_197 = scf.for %scan3A_338 = %scan3A_193 to %scan3A_195 step %scan3A_196 iter_args(%scan3A_339 = %scan3A_192) -> (i32)  : i32 {
      %add3A_340 = arith.constant 0 : i32
      %add3A_341 = arith.addi %add3A_340, %scan3A_338 : i32
      %get3A = arith.index_cast %add3A_341 : i32 to index
      %get3A_342 = arith.constant 0 : index
      %get3A_343 = tpu.vector_load %arg19[%get3A, %get3A_342] {strides = array<i32>} : memref<256x128xf32, #tpu.memory_space<vmem>>, vector<1x16xf32>,
      %get3A_344 = vector.shape_cast %get3A_343 : vector<1x16xf32> to vector<16xf32>
      %swap3A = arith.index_cast %scan3A_338 : i32 to index
      %swap3A_345 = arith.constant 0 : index
      %swap3A_346 = tpu.vector_load %arg16[%swap3A, %swap3A_345] {strides = array<i32>} : memref<128x128xf32, #tpu.memory_space<vmem>>, vector<1x16xf32>,
      %swap3A_347 = vector.shape_cast %swap3A_346 : vector<1x16xf32> to vector<16xf32>
      %swap3A_348 = vector.shape_cast %get3A_344 : vector<16xf32> to vector<1x16xf32>
      tpu.vector_store %arg16[%swap3A, %swap3A_345], %swap3A_348 {add = true, strides = array<i32>} : memref<128x128xf32, #tpu.memory_space<vmem>>, vector<1x16xf32>,
      %add3A_349 = arith.constant 0 : i32
      %add3A_350 = arith.addi %add3A_349, %scan3A_338 : i32
      %get3A_351 = arith.index_cast %add3A_350 : i32 to index
      %get3A_352 = arith.constant 16 : index
      %get3A_353 = tpu.vector_load %arg19[%get3A_351, %get3A_352] {strides = array<i32>} : memref<256x128xf32, #tpu.memory_space<vmem>>, vector<1x16xf32>,
      %get3A_354 = vector.shape_cast %get3A_353 : vector<1x16xf32> to vector<16xf32>
      %swap3A_355 = arith.index_cast %scan3A_338 : i32 to index
      %swap3A_356 = arith.constant 16 : index
      %swap3A_357 = tpu.vector_load %arg16[%swap3A_355, %swap3A_356] {strides = array<i32>} : memref<128x128xf32, #tpu.memory_space<vmem>>, vector<1x16xf32>,
      %swap3A_358 = vector.shape_cast %swap3A_357 : vector<1x16xf32> to vector<16xf32>
      %swap3A_359 = vector.shape_cast %get3A_354 : vector<16xf32> to vector<1x16xf32>
      tpu.vector_store %arg16[%swap3A_355, %swap3A_356], %swap3A_359 {add = true, strides = array<i32>} : memref<128x128xf32, #tpu.memory_space<vmem>>, vector<1x16xf32>,
      %add3A_360 = arith.constant 0 : i32
      %add3A_361 = arith.addi %add3A_360, %scan3A_338 : i32
      %get3A_362 = arith.index_cast %add3A_361 : i32 to index
      %get3A_363 = arith.constant 32 : index
      %get3A_364 = tpu.vector_load %arg19[%get3A_362, %get3A_363] {strides = array<i32>} : memref<256x128xf32, #tpu.memory_space<vmem>>, vector<1x16xf32>,
      %get3A_365 = vector.shape_cast %get3A_364 : vector<1x16xf32> to vector<16xf32>
      %swap3A_366 = arith.index_cast %scan3A_338 : i32 to index
      %swap3A_367 = arith.constant 32 : index
      %swap3A_368 = tpu.vector_load %arg16[%swap3A_366, %swap3A_367] {strides = array<i32>} : memref<128x128xf32, #tpu.memory_space<vmem>>, vector<1x16xf32>,
      %swap3A_369 = vector.shape_cast %swap3A_368 : vector<1x16xf32> to vector<16xf32>
      %swap3A_370 = vector.shape_cast %get3A_365 : vector<16xf32> to vector<1x16xf32>
      tpu.vector_store %arg16[%swap3A_366, %swap3A_367], %swap3A_370 {add = true, strides = array<i32>} : memref<128x128xf32, #tpu.memory_space<vmem>>, vector<1x16xf32>,
      %add3A_371 = arith.constant 0 : i32
      %add3A_372 = arith.addi %add3A_371, %scan3A_338 : i32
      %get3A_373 = arith.index_cast %add3A_372 : i32 to index
      %get3A_374 = arith.constant 48 : index
      %get3A_375 = tpu.vector_load %arg19[%get3A_373, %get3A_374] {strides = array<i32>} : memref<256x128xf32, #tpu.memory_space<vmem>>, vector<1x16xf32>,
      %get3A_376 = vector.shape_cast %get3A_375 : vector<1x16xf32> to vector<16xf32>
      %swap3A_377 = arith.index_cast %scan3A_338 : i32 to index
      %swap3A_378 = arith.constant 48 : index
      %swap3A_379 = tpu.vector_load %arg16[%swap3A_377, %swap3A_378] {strides = array<i32>} : memref<128x128xf32, #tpu.memory_space<vmem>>, vector<1x16xf32>,
      %swap3A_380 = vector.shape_cast %swap3A_379 : vector<1x16xf32> to vector<16xf32>
      %swap3A_381 = vector.shape_cast %get3A_376 : vector<16xf32> to vector<1x16xf32>
      tpu.vector_store %arg16[%swap3A_377, %swap3A_378], %swap3A_381 {add = true, strides = array<i32>} : memref<128x128xf32, #tpu.memory_space<vmem>>, vector<1x16xf32>,
      %add3A_382 = arith.constant 0 : i32
      %add3A_383 = arith.addi %add3A_382, %scan3A_338 : i32
      %get3A_384 = arith.index_cast %add3A_383 : i32 to index
      %get3A_385 = arith.constant 64 : index
      %get3A_386 = tpu.vector_load %arg19[%get3A_384, %get3A_385] {strides = array<i32>} : memref<256x128xf32, #tpu.memory_space<vmem>>, vector<1x16xf32>,
      %get3A_387 = vector.shape_cast %get3A_386 : vector<1x16xf32> to vector<16xf32>
      %swap3A_388 = arith.index_cast %scan3A_338 : i32 to index
      %swap3A_389 = arith.constant 64 : index
      %swap3A_390 = tpu.vector_load %arg16[%swap3A_388, %swap3A_389] {strides = array<i32>} : memref<128x128xf32, #tpu.memory_space<vmem>>, vector<1x16xf32>,
      %swap3A_391 = vector.shape_cast %swap3A_390 : vector<1x16xf32> to vector<16xf32>
      %swap3A_392 = vector.shape_cast %get3A_387 : vector<16xf32> to vector<1x16xf32>
      tpu.vector_store %arg16[%swap3A_388, %swap3A_389], %swap3A_392 {add = true, strides = array<i32>} : memref<128x128xf32, #tpu.memory_space<vmem>>, vector<1x16xf32>,
      %add3A_393 = arith.constant 0 : i32
      %add3A_394 = arith.addi %add3A_393, %scan3A_338 : i32
      %get3A_395 = arith.index_cast %add3A_394 : i32 to index
      %get3A_396 = arith.constant 80 : index
      %get3A_397 = tpu.vector_load %arg19[%get3A_395, %get3A_396] {strides = array<i32>} : memref<256x128xf32, #tpu.memory_space<vmem>>, vector<1x16xf32>,
      %get3A_398 = vector.shape_cast %get3A_397 : vector<1x16xf32> to vector<16xf32>
      %swap3A_399 = arith.index_cast %scan3A_338 : i32 to index
      %swap3A_400 = arith.constant 80 : index
      %swap3A_401 = tpu.vector_load %arg16[%swap3A_399, %swap3A_400] {strides = array<i32>} : memref<128x128xf32, #tpu.memory_space<vmem>>, vector<1x16xf32>,
      %swap3A_402 = vector.shape_cast %swap3A_401 : vector<1x16xf32> to vector<16xf32>
      %swap3A_403 = vector.shape_cast %get3A_398 : vector<16xf32> to vector<1x16xf32>
      tpu.vector_store %arg16[%swap3A_399, %swap3A_400], %swap3A_403 {add = true, strides = array<i32>} : memref<128x128xf32, #tpu.memory_space<vmem>>, vector<1x16xf32>,
      %add3A_404 = arith.constant 0 : i32
      %add3A_405 = arith.addi %add3A_404, %scan3A_338 : i32
      %get3A_406 = arith.index_cast %add3A_405 : i32 to index
      %get3A_407 = arith.constant 96 : index
      %get3A_408 = tpu.vector_load %arg19[%get3A_406, %get3A_407] {strides = array<i32>} : memref<256x128xf32, #tpu.memory_space<vmem>>, vector<1x16xf32>,
      %get3A_409 = vector.shape_cast %get3A_408 : vector<1x16xf32> to vector<16xf32>
      %swap3A_410 = arith.index_cast %scan3A_338 : i32 to index
      %swap3A_411 = arith.constant 96 : index
      %swap3A_412 = tpu.vector_load %arg16[%swap3A_410, %swap3A_411] {strides = array<i32>} : memref<128x128xf32, #tpu.memory_space<vmem>>, vector<1x16xf32>,
      %swap3A_413 = vector.shape_cast %swap3A_412 : vector<1x16xf32> to vector<16xf32>
      %swap3A_414 = vector.shape_cast %get3A_409 : vector<16xf32> to vector<1x16xf32>
      tpu.vector_store %arg16[%swap3A_410, %swap3A_411], %swap3A_414 {add = true, strides = array<i32>} : memref<128x128xf32, #tpu.memory_space<vmem>>, vector<1x16xf32>,
      %add3A_415 = arith.constant 0 : i32
      %add3A_416 = arith.addi %add3A_415, %scan3A_338 : i32
      %get3A_417 = arith.index_cast %add3A_416 : i32 to index
      %get3A_418 = arith.constant 112 : index
      %get3A_419 = tpu.vector_load %arg19[%get3A_417, %get3A_418] {strides = array<i32>} : memref<256x128xf32, #tpu.memory_space<vmem>>, vector<1x16xf32>,
      %get3A_420 = vector.shape_cast %get3A_419 : vector<1x16xf32> to vector<16xf32>
      %swap3A_421 = arith.index_cast %scan3A_338 : i32 to index
      %swap3A_422 = arith.constant 112 : index
      %swap3A_423 = tpu.vector_load %arg16[%swap3A_421, %swap3A_422] {strides = array<i32>} : memref<128x128xf32, #tpu.memory_space<vmem>>, vector<1x16xf32>,
      %swap3A_424 = vector.shape_cast %swap3A_423 : vector<1x16xf32> to vector<16xf32>
      %swap3A_425 = vector.shape_cast %get3A_420 : vector<16xf32> to vector<1x16xf32>
      tpu.vector_store %arg16[%swap3A_421, %swap3A_422], %swap3A_425 {add = true, strides = array<i32>} : memref<128x128xf32, #tpu.memory_space<vmem>>, vector<1x16xf32>,
      %scan3A_426 = arith.constant 0 : i32
      scf.yield %scan3A_426 : i32
    }
    %scan3A_198 = arith.constant 128 : i32
    %add3A_199 = arith.constant 8192 : i32
    %add3A_200 = arith.addi %add3A_199, %mul3A_2 : i32
    %add3A_201 = arith.constant 0 : i32
    %add3A_202 = arith.addi %add3A_200, %add3A_201 : i32
    %dma_start3A_203 = arith.constant 0 : i32
    %dma_start3A_204 = tpu.memref_slice %arg5[%add3A_202, %dma_start3A_203] : memref<32768x128xf32, #tpu.memory_space<hbm>> -> memref<128x128xf32, #tpu.memory_space<hbm>>
    %dma_start3A_205 = arith.constant 0 : i32
    %dma_start3A_206 = tpu.memref_slice %arg5[%add3A_202, %dma_start3A_205] : memref<32768x128xf32, #tpu.memory_space<hbm>> -> memref<128x128xf32, #tpu.memory_space<hbm>>
    tpu.enqueue_dma source(%arg16 : memref<128x128xf32, #tpu.memory_space<vmem>>) target(%dma_start3A_206 : memref<128x128xf32, #tpu.memory_space<hbm>>) target_semaphore(%arg27 : memref<!tpu.dma_semaphore, #tpu.memory_space<semaphore_mem>>)
    %dma_wait3A_207 = arith.constant 0 : i32
    %dma_wait3A_208 = tpu.memref_slice %arg5[%add3A_150, %dma_wait3A_207] : memref<32768x128xf32, #tpu.memory_space<hbm>> -> memref<128x128xf32, #tpu.memory_space<hbm>>
    %dma_wait3A_209 = arith.constant 0 : i32
    %dma_wait3A_210 = tpu.memref_slice %arg5[%add3A_150, %dma_wait3A_209] : memref<32768x128xf32, #tpu.memory_space<hbm>> -> memref<128x128xf32, #tpu.memory_space<hbm>>
    tpu.wait_dma2 semaphore(%arg25 : memref<!tpu.dma_semaphore, #tpu.memory_space<semaphore_mem>>) src(%arg14 : memref<128x128xf32, #tpu.memory_space<vmem>>) dst(%dma_wait3A_210 : memref<128x128xf32, #tpu.memory_space<hbm>>)
    %dma_start3A_211 = arith.constant 0 : i32
    %dma_start3A_212 = arith.constant 0 : i32
    %dma_start3A_213 = tpu.memref_slice %arg3[%dma_start3A_211, %dma_start3A_212] : memref<100000x128xf32, #tpu.memory_space<hbm>> -> memref<100000x128xf32, #tpu.memory_space<hbm>>
    tpu.enqueue_indirect_dma source(%dma_start3A_213 : memref<100000x128xf32, #tpu.memory_space<hbm>>) target(%arg14 : memref<128x128xf32, #tpu.memory_space<vmem>>) offsets(%arg11 : memref<128xi32, #tpu.memory_space<vmem>>) semaphore(%arg20 : memref<!tpu.dma_semaphore, #tpu.memory_space<semaphore_mem>>)
    %dma_wait3A_214 = arith.constant 0 : i32
    %dma_wait3A_215 = arith.constant 0 : i32
    %dma_wait3A_216 = tpu.memref_slice %arg3[%dma_wait3A_214, %dma_wait3A_215] : memref<100000x128xf32, #tpu.memory_space<hbm>> -> memref<100000x128xf32, #tpu.memory_space<hbm>>
    tpu.wait_indirect_dma semaphore(%arg23 : memref<!tpu.dma_semaphore, #tpu.memory_space<semaphore_mem>>) src(%dma_wait3A_216 : memref<100000x128xf32, #tpu.memory_space<hbm>>) dst(%arg17 : memref<128x128xf32, #tpu.memory_space<vmem>>)
    %scan3A_217 = arith.constant 0 : i32
    %scan3A_218 = arith.constant 0 : i32
    %scan3A_219 = arith.constant 128 : i32
    %scan3A_220 = arith.addi %scan3A_218, %scan3A_219 : i32
    %scan3A_221 = arith.constant 1 : i32
    %scan3A_222 = scf.for %scan3A_338 = %scan3A_218 to %scan3A_220 step %scan3A_221 iter_args(%scan3A_339 = %scan3A_217) -> (i32)  : i32 {
      %add3A_340 = arith.constant 128 : i32
      %add3A_341 = arith.addi %add3A_340, %scan3A_338 : i32
      %get3A = arith.index_cast %add3A_341 : i32 to index
      %get3A_342 = arith.constant 0 : index
      %get3A_343 = tpu.vector_load %arg19[%get3A, %get3A_342] {strides = array<i32>} : memref<256x128xf32, #tpu.memory_space<vmem>>, vector<1x16xf32>,
      %get3A_344 = vector.shape_cast %get3A_343 : vector<1x16xf32> to vector<16xf32>
      %swap3A = arith.index_cast %scan3A_338 : i32 to index
      %swap3A_345 = arith.constant 0 : index
      %swap3A_346 = tpu.vector_load %arg17[%swap3A, %swap3A_345] {strides = array<i32>} : memref<128x128xf32, #tpu.memory_space<vmem>>, vector<1x16xf32>,
      %swap3A_347 = vector.shape_cast %swap3A_346 : vector<1x16xf32> to vector<16xf32>
      %swap3A_348 = vector.shape_cast %get3A_344 : vector<16xf32> to vector<1x16xf32>
      tpu.vector_store %arg17[%swap3A, %swap3A_345], %swap3A_348 {add = true, strides = array<i32>} : memref<128x128xf32, #tpu.memory_space<vmem>>, vector<1x16xf32>,
      %add3A_349 = arith.constant 128 : i32
      %add3A_350 = arith.addi %add3A_349, %scan3A_338 : i32
      %get3A_351 = arith.index_cast %add3A_350 : i32 to index
      %get3A_352 = arith.constant 16 : index
      %get3A_353 = tpu.vector_load %arg19[%get3A_351, %get3A_352] {strides = array<i32>} : memref<256x128xf32, #tpu.memory_space<vmem>>, vector<1x16xf32>,
      %get3A_354 = vector.shape_cast %get3A_353 : vector<1x16xf32> to vector<16xf32>
      %swap3A_355 = arith.index_cast %scan3A_338 : i32 to index
      %swap3A_356 = arith.constant 16 : index
      %swap3A_357 = tpu.vector_load %arg17[%swap3A_355, %swap3A_356] {strides = array<i32>} : memref<128x128xf32, #tpu.memory_space<vmem>>, vector<1x16xf32>,
      %swap3A_358 = vector.shape_cast %swap3A_357 : vector<1x16xf32> to vector<16xf32>
      %swap3A_359 = vector.shape_cast %get3A_354 : vector<16xf32> to vector<1x16xf32>
      tpu.vector_store %arg17[%swap3A_355, %swap3A_356], %swap3A_359 {add = true, strides = array<i32>} : memref<128x128xf32, #tpu.memory_space<vmem>>, vector<1x16xf32>,
      %add3A_360 = arith.constant 128 : i32
      %add3A_361 = arith.addi %add3A_360, %scan3A_338 : i32
      %get3A_362 = arith.index_cast %add3A_361 : i32 to index
      %get3A_363 = arith.constant 32 : index
      %get3A_364 = tpu.vector_load %arg19[%get3A_362, %get3A_363] {strides = array<i32>} : memref<256x128xf32, #tpu.memory_space<vmem>>, vector<1x16xf32>,
      %get3A_365 = vector.shape_cast %get3A_364 : vector<1x16xf32> to vector<16xf32>
      %swap3A_366 = arith.index_cast %scan3A_338 : i32 to index
      %swap3A_367 = arith.constant 32 : index
      %swap3A_368 = tpu.vector_load %arg17[%swap3A_366, %swap3A_367] {strides = array<i32>} : memref<128x128xf32, #tpu.memory_space<vmem>>, vector<1x16xf32>,
      %swap3A_369 = vector.shape_cast %swap3A_368 : vector<1x16xf32> to vector<16xf32>
      %swap3A_370 = vector.shape_cast %get3A_365 : vector<16xf32> to vector<1x16xf32>
      tpu.vector_store %arg17[%swap3A_366, %swap3A_367], %swap3A_370 {add = true, strides = array<i32>} : memref<128x128xf32, #tpu.memory_space<vmem>>, vector<1x16xf32>,
      %add3A_371 = arith.constant 128 : i32
      %add3A_372 = arith.addi %add3A_371, %scan3A_338 : i32
      %get3A_373 = arith.index_cast %add3A_372 : i32 to index
      %get3A_374 = arith.constant 48 : index
      %get3A_375 = tpu.vector_load %arg19[%get3A_373, %get3A_374] {strides = array<i32>} : memref<256x128xf32, #tpu.memory_space<vmem>>, vector<1x16xf32>,
      %get3A_376 = vector.shape_cast %get3A_375 : vector<1x16xf32> to vector<16xf32>
      %swap3A_377 = arith.index_cast %scan3A_338 : i32 to index
      %swap3A_378 = arith.constant 48 : index
      %swap3A_379 = tpu.vector_load %arg17[%swap3A_377, %swap3A_378] {strides = array<i32>} : memref<128x128xf32, #tpu.memory_space<vmem>>, vector<1x16xf32>,
      %swap3A_380 = vector.shape_cast %swap3A_379 : vector<1x16xf32> to vector<16xf32>
      %swap3A_381 = vector.shape_cast %get3A_376 : vector<16xf32> to vector<1x16xf32>
      tpu.vector_store %arg17[%swap3A_377, %swap3A_378], %swap3A_381 {add = true, strides = array<i32>} : memref<128x128xf32, #tpu.memory_space<vmem>>, vector<1x16xf32>,
      %add3A_382 = arith.constant 128 : i32
      %add3A_383 = arith.addi %add3A_382, %scan3A_338 : i32
      %get3A_384 = arith.index_cast %add3A_383 : i32 to index
      %get3A_385 = arith.constant 64 : index
      %get3A_386 = tpu.vector_load %arg19[%get3A_384, %get3A_385] {strides = array<i32>} : memref<256x128xf32, #tpu.memory_space<vmem>>, vector<1x16xf32>,
      %get3A_387 = vector.shape_cast %get3A_386 : vector<1x16xf32> to vector<16xf32>
      %swap3A_388 = arith.index_cast %scan3A_338 : i32 to index
      %swap3A_389 = arith.constant 64 : index
      %swap3A_390 = tpu.vector_load %arg17[%swap3A_388, %swap3A_389] {strides = array<i32>} : memref<128x128xf32, #tpu.memory_space<vmem>>, vector<1x16xf32>,
      %swap3A_391 = vector.shape_cast %swap3A_390 : vector<1x16xf32> to vector<16xf32>
      %swap3A_392 = vector.shape_cast %get3A_387 : vector<16xf32> to vector<1x16xf32>
      tpu.vector_store %arg17[%swap3A_388, %swap3A_389], %swap3A_392 {add = true, strides = array<i32>} : memref<128x128xf32, #tpu.memory_space<vmem>>, vector<1x16xf32>,
      %add3A_393 = arith.constant 128 : i32
      %add3A_394 = arith.addi %add3A_393, %scan3A_338 : i32
      %get3A_395 = arith.index_cast %add3A_394 : i32 to index
      %get3A_396 = arith.constant 80 : index
      %get3A_397 = tpu.vector_load %arg19[%get3A_395, %get3A_396] {strides = array<i32>} : memref<256x128xf32, #tpu.memory_space<vmem>>, vector<1x16xf32>,
      %get3A_398 = vector.shape_cast %get3A_397 : vector<1x16xf32> to vector<16xf32>
      %swap3A_399 = arith.index_cast %scan3A_338 : i32 to index
      %swap3A_400 = arith.constant 80 : index
      %swap3A_401 = tpu.vector_load %arg17[%swap3A_399, %swap3A_400] {strides = array<i32>} : memref<128x128xf32, #tpu.memory_space<vmem>>, vector<1x16xf32>,
      %swap3A_402 = vector.shape_cast %swap3A_401 : vector<1x16xf32> to vector<16xf32>
      %swap3A_403 = vector.shape_cast %get3A_398 : vector<16xf32> to vector<1x16xf32>
      tpu.vector_store %arg17[%swap3A_399, %swap3A_400], %swap3A_403 {add = true, strides = array<i32>} : memref<128x128xf32, #tpu.memory_space<vmem>>, vector<1x16xf32>,
      %add3A_404 = arith.constant 128 : i32
      %add3A_405 = arith.addi %add3A_404, %scan3A_338 : i32
      %get3A_406 = arith.index_cast %add3A_405 : i32 to index
      %get3A_407 = arith.constant 96 : index
      %get3A_408 = tpu.vector_load %arg19[%get3A_406, %get3A_407] {strides = array<i32>} : memref<256x128xf32, #tpu.memory_space<vmem>>, vector<1x16xf32>,
      %get3A_409 = vector.shape_cast %get3A_408 : vector<1x16xf32> to vector<16xf32>
      %swap3A_410 = arith.index_cast %scan3A_338 : i32 to index
      %swap3A_411 = arith.constant 96 : index
      %swap3A_412 = tpu.vector_load %arg17[%swap3A_410, %swap3A_411] {strides = array<i32>} : memref<128x128xf32, #tpu.memory_space<vmem>>, vector<1x16xf32>,
      %swap3A_413 = vector.shape_cast %swap3A_412 : vector<1x16xf32> to vector<16xf32>
      %swap3A_414 = vector.shape_cast %get3A_409 : vector<16xf32> to vector<1x16xf32>
      tpu.vector_store %arg17[%swap3A_410, %swap3A_411], %swap3A_414 {add = true, strides = array<i32>} : memref<128x128xf32, #tpu.memory_space<vmem>>, vector<1x16xf32>,
      %add3A_415 = arith.constant 128 : i32
      %add3A_416 = arith.addi %add3A_415, %scan3A_338 : i32
      %get3A_417 = arith.index_cast %add3A_416 : i32 to index
      %get3A_418 = arith.constant 112 : index
      %get3A_419 = tpu.vector_load %arg19[%get3A_417, %get3A_418] {strides = array<i32>} : memref<256x128xf32, #tpu.memory_space<vmem>>, vector<1x16xf32>,
      %get3A_420 = vector.shape_cast %get3A_419 : vector<1x16xf32> to vector<16xf32>
      %swap3A_421 = arith.index_cast %scan3A_338 : i32 to index
      %swap3A_422 = arith.constant 112 : index
      %swap3A_423 = tpu.vector_load %arg17[%swap3A_421, %swap3A_422] {strides = array<i32>} : memref<128x128xf32, #tpu.memory_space<vmem>>, vector<1x16xf32>,
      %swap3A_424 = vector.shape_cast %swap3A_423 : vector<1x16xf32> to vector<16xf32>
      %swap3A_425 = vector.shape_cast %get3A_420 : vector<16xf32> to vector<1x16xf32>
      tpu.vector_store %arg17[%swap3A_421, %swap3A_422], %swap3A_425 {add = true, strides = array<i32>} : memref<128x128xf32, #tpu.memory_space<vmem>>, vector<1x16xf32>,
      %scan3A_426 = arith.constant 0 : i32
      scf.yield %scan3A_426 : i32
    }
    %scan3A_223 = arith.constant 128 : i32
    %add3A_224 = arith.constant 8192 : i32
    %add3A_225 = arith.addi %add3A_224, %mul3A_2 : i32
    %add3A_226 = arith.constant 128 : i32
    %add3A_227 = arith.addi %add3A_225, %add3A_226 : i32
    %dma_start3A_228 = arith.constant 0 : i32
    %dma_start3A_229 = tpu.memref_slice %arg5[%add3A_227, %dma_start3A_228] : memref<32768x128xf32, #tpu.memory_space<hbm>> -> memref<128x128xf32, #tpu.memory_space<hbm>>
    %dma_start3A_230 = arith.constant 0 : i32
    %dma_start3A_231 = tpu.memref_slice %arg5[%add3A_227, %dma_start3A_230] : memref<32768x128xf32, #tpu.memory_space<hbm>> -> memref<128x128xf32, #tpu.memory_space<hbm>>
    tpu.enqueue_dma source(%arg17 : memref<128x128xf32, #tpu.memory_space<vmem>>) target(%dma_start3A_231 : memref<128x128xf32, #tpu.memory_space<hbm>>) target_semaphore(%arg28 : memref<!tpu.dma_semaphore, #tpu.memory_space<semaphore_mem>>)
    %dma_wait3A_232 = arith.constant 0 : i32
    %dma_wait3A_233 = tpu.memref_slice %arg5[%add3A_181, %dma_wait3A_232] : memref<32768x128xf32, #tpu.memory_space<hbm>> -> memref<128x128xf32, #tpu.memory_space<hbm>>
    %dma_wait3A_234 = arith.constant 0 : i32
    %dma_wait3A_235 = tpu.memref_slice %arg5[%add3A_181, %dma_wait3A_234] : memref<32768x128xf32, #tpu.memory_space<hbm>> -> memref<128x128xf32, #tpu.memory_space<hbm>>
    tpu.wait_dma2 semaphore(%arg26 : memref<!tpu.dma_semaphore, #tpu.memory_space<semaphore_mem>>) src(%arg15 : memref<128x128xf32, #tpu.memory_space<vmem>>) dst(%dma_wait3A_235 : memref<128x128xf32, #tpu.memory_space<hbm>>)
    %dma_start3A_236 = arith.constant 0 : i32
    %dma_start3A_237 = arith.constant 0 : i32
    %dma_start3A_238 = tpu.memref_slice %arg3[%dma_start3A_236, %dma_start3A_237] : memref<100000x128xf32, #tpu.memory_space<hbm>> -> memref<100000x128xf32, #tpu.memory_space<hbm>>
    tpu.enqueue_indirect_dma source(%dma_start3A_238 : memref<100000x128xf32, #tpu.memory_space<hbm>>) target(%arg15 : memref<128x128xf32, #tpu.memory_space<vmem>>) offsets(%arg12 : memref<128xi32, #tpu.memory_space<vmem>>) semaphore(%arg21 : memref<!tpu.dma_semaphore, #tpu.memory_space<semaphore_mem>>)
    %dma_wait3A_239 = arith.constant 0 : i32
    %dma_wait3A_240 = arith.constant 0 : i32
    %dma_wait3A_241 = tpu.memref_slice %arg3[%dma_wait3A_239, %dma_wait3A_240] : memref<100000x128xf32, #tpu.memory_space<hbm>> -> memref<100000x128xf32, #tpu.memory_space<hbm>>
    tpu.wait_indirect_dma semaphore(%arg24 : memref<!tpu.dma_semaphore, #tpu.memory_space<semaphore_mem>>) src(%dma_wait3A_241 : memref<100000x128xf32, #tpu.memory_space<hbm>>) dst(%arg18 : memref<128x128xf32, #tpu.memory_space<vmem>>)
    %scan3A_242 = arith.constant 0 : i32
    %scan3A_243 = arith.constant 0 : i32
    %scan3A_244 = arith.constant 128 : i32
    %scan3A_245 = arith.addi %scan3A_243, %scan3A_244 : i32
    %scan3A_246 = arith.constant 1 : i32
    %scan3A_247 = scf.for %scan3A_338 = %scan3A_243 to %scan3A_245 step %scan3A_246 iter_args(%scan3A_339 = %scan3A_242) -> (i32)  : i32 {
      %add3A_340 = arith.constant 0 : i32
      %add3A_341 = arith.addi %add3A_340, %scan3A_338 : i32
      %get3A = arith.index_cast %add3A_341 : i32 to index
      %get3A_342 = arith.constant 0 : index
      %get3A_343 = tpu.vector_load %arg19[%get3A, %get3A_342] {strides = array<i32>} : memref<256x128xf32, #tpu.memory_space<vmem>>, vector<1x16xf32>,
      %get3A_344 = vector.shape_cast %get3A_343 : vector<1x16xf32> to vector<16xf32>
      %swap3A = arith.index_cast %scan3A_338 : i32 to index
      %swap3A_345 = arith.constant 0 : index
      %swap3A_346 = tpu.vector_load %arg18[%swap3A, %swap3A_345] {strides = array<i32>} : memref<128x128xf32, #tpu.memory_space<vmem>>, vector<1x16xf32>,
      %swap3A_347 = vector.shape_cast %swap3A_346 : vector<1x16xf32> to vector<16xf32>
      %swap3A_348 = vector.shape_cast %get3A_344 : vector<16xf32> to vector<1x16xf32>
      tpu.vector_store %arg18[%swap3A, %swap3A_345], %swap3A_348 {add = true, strides = array<i32>} : memref<128x128xf32, #tpu.memory_space<vmem>>, vector<1x16xf32>,
      %add3A_349 = arith.constant 0 : i32
      %add3A_350 = arith.addi %add3A_349, %scan3A_338 : i32
      %get3A_351 = arith.index_cast %add3A_350 : i32 to index
      %get3A_352 = arith.constant 16 : index
      %get3A_353 = tpu.vector_load %arg19[%get3A_351, %get3A_352] {strides = array<i32>} : memref<256x128xf32, #tpu.memory_space<vmem>>, vector<1x16xf32>,
      %get3A_354 = vector.shape_cast %get3A_353 : vector<1x16xf32> to vector<16xf32>
      %swap3A_355 = arith.index_cast %scan3A_338 : i32 to index
      %swap3A_356 = arith.constant 16 : index
      %swap3A_357 = tpu.vector_load %arg18[%swap3A_355, %swap3A_356] {strides = array<i32>} : memref<128x128xf32, #tpu.memory_space<vmem>>, vector<1x16xf32>,
      %swap3A_358 = vector.shape_cast %swap3A_357 : vector<1x16xf32> to vector<16xf32>
      %swap3A_359 = vector.shape_cast %get3A_354 : vector<16xf32> to vector<1x16xf32>
      tpu.vector_store %arg18[%swap3A_355, %swap3A_356], %swap3A_359 {add = true, strides = array<i32>} : memref<128x128xf32, #tpu.memory_space<vmem>>, vector<1x16xf32>,
      %add3A_360 = arith.constant 0 : i32
      %add3A_361 = arith.addi %add3A_360, %scan3A_338 : i32
      %get3A_362 = arith.index_cast %add3A_361 : i32 to index
      %get3A_363 = arith.constant 32 : index
      %get3A_364 = tpu.vector_load %arg19[%get3A_362, %get3A_363] {strides = array<i32>} : memref<256x128xf32, #tpu.memory_space<vmem>>, vector<1x16xf32>,
      %get3A_365 = vector.shape_cast %get3A_364 : vector<1x16xf32> to vector<16xf32>
      %swap3A_366 = arith.index_cast %scan3A_338 : i32 to index
      %swap3A_367 = arith.constant 32 : index
      %swap3A_368 = tpu.vector_load %arg18[%swap3A_366, %swap3A_367] {strides = array<i32>} : memref<128x128xf32, #tpu.memory_space<vmem>>, vector<1x16xf32>,
      %swap3A_369 = vector.shape_cast %swap3A_368 : vector<1x16xf32> to vector<16xf32>
      %swap3A_370 = vector.shape_cast %get3A_365 : vector<16xf32> to vector<1x16xf32>
      tpu.vector_store %arg18[%swap3A_366, %swap3A_367], %swap3A_370 {add = true, strides = array<i32>} : memref<128x128xf32, #tpu.memory_space<vmem>>, vector<1x16xf32>,
      %add3A_371 = arith.constant 0 : i32
      %add3A_372 = arith.addi %add3A_371, %scan3A_338 : i32
      %get3A_373 = arith.index_cast %add3A_372 : i32 to index
      %get3A_374 = arith.constant 48 : index
      %get3A_375 = tpu.vector_load %arg19[%get3A_373, %get3A_374] {strides = array<i32>} : memref<256x128xf32, #tpu.memory_space<vmem>>, vector<1x16xf32>,
      %get3A_376 = vector.shape_cast %get3A_375 : vector<1x16xf32> to vector<16xf32>
      %swap3A_377 = arith.index_cast %scan3A_338 : i32 to index
      %swap3A_378 = arith.constant 48 : index
      %swap3A_379 = tpu.vector_load %arg18[%swap3A_377, %swap3A_378] {strides = array<i32>} : memref<128x128xf32, #tpu.memory_space<vmem>>, vector<1x16xf32>,
      %swap3A_380 = vector.shape_cast %swap3A_379 : vector<1x16xf32> to vector<16xf32>
      %swap3A_381 = vector.shape_cast %get3A_376 : vector<16xf32> to vector<1x16xf32>
      tpu.vector_store %arg18[%swap3A_377, %swap3A_378], %swap3A_381 {add = true, strides = array<i32>} : memref<128x128xf32, #tpu.memory_space<vmem>>, vector<1x16xf32>,
      %add3A_382 = arith.constant 0 : i32
      %add3A_383 = arith.addi %add3A_382, %scan3A_338 : i32
      %get3A_384 = arith.index_cast %add3A_383 : i32 to index
      %get3A_385 = arith.constant 64 : index
      %get3A_386 = tpu.vector_load %arg19[%get3A_384, %get3A_385] {strides = array<i32>} : memref<256x128xf32, #tpu.memory_space<vmem>>, vector<1x16xf32>,
      %get3A_387 = vector.shape_cast %get3A_386 : vector<1x16xf32> to vector<16xf32>
      %swap3A_388 = arith.index_cast %scan3A_338 : i32 to index
      %swap3A_389 = arith.constant 64 : index
      %swap3A_390 = tpu.vector_load %arg18[%swap3A_388, %swap3A_389] {strides = array<i32>} : memref<128x128xf32, #tpu.memory_space<vmem>>, vector<1x16xf32>,
      %swap3A_391 = vector.shape_cast %swap3A_390 : vector<1x16xf32> to vector<16xf32>
      %swap3A_392 = vector.shape_cast %get3A_387 : vector<16xf32> to vector<1x16xf32>
      tpu.vector_store %arg18[%swap3A_388, %swap3A_389], %swap3A_392 {add = true, strides = array<i32>} : memref<128x128xf32, #tpu.memory_space<vmem>>, vector<1x16xf32>,
      %add3A_393 = arith.constant 0 : i32
      %add3A_394 = arith.addi %add3A_393, %scan3A_338 : i32
      %get3A_395 = arith.index_cast %add3A_394 : i32 to index
      %get3A_396 = arith.constant 80 : index
      %get3A_397 = tpu.vector_load %arg19[%get3A_395, %get3A_396] {strides = array<i32>} : memref<256x128xf32, #tpu.memory_space<vmem>>, vector<1x16xf32>,
      %get3A_398 = vector.shape_cast %get3A_397 : vector<1x16xf32> to vector<16xf32>
      %swap3A_399 = arith.index_cast %scan3A_338 : i32 to index
      %swap3A_400 = arith.constant 80 : index
      %swap3A_401 = tpu.vector_load %arg18[%swap3A_399, %swap3A_400] {strides = array<i32>} : memref<128x128xf32, #tpu.memory_space<vmem>>, vector<1x16xf32>,
      %swap3A_402 = vector.shape_cast %swap3A_401 : vector<1x16xf32> to vector<16xf32>
      %swap3A_403 = vector.shape_cast %get3A_398 : vector<16xf32> to vector<1x16xf32>
      tpu.vector_store %arg18[%swap3A_399, %swap3A_400], %swap3A_403 {add = true, strides = array<i32>} : memref<128x128xf32, #tpu.memory_space<vmem>>, vector<1x16xf32>,
      %add3A_404 = arith.constant 0 : i32
      %add3A_405 = arith.addi %add3A_404, %scan3A_338 : i32
      %get3A_406 = arith.index_cast %add3A_405 : i32 to index
      %get3A_407 = arith.constant 96 : index
      %get3A_408 = tpu.vector_load %arg19[%get3A_406, %get3A_407] {strides = array<i32>} : memref<256x128xf32, #tpu.memory_space<vmem>>, vector<1x16xf32>,
      %get3A_409 = vector.shape_cast %get3A_408 : vector<1x16xf32> to vector<16xf32>
      %swap3A_410 = arith.index_cast %scan3A_338 : i32 to index
      %swap3A_411 = arith.constant 96 : index
      %swap3A_412 = tpu.vector_load %arg18[%swap3A_410, %swap3A_411] {strides = array<i32>} : memref<128x128xf32, #tpu.memory_space<vmem>>, vector<1x16xf32>,
      %swap3A_413 = vector.shape_cast %swap3A_412 : vector<1x16xf32> to vector<16xf32>
      %swap3A_414 = vector.shape_cast %get3A_409 : vector<16xf32> to vector<1x16xf32>
      tpu.vector_store %arg18[%swap3A_410, %swap3A_411], %swap3A_414 {add = true, strides = array<i32>} : memref<128x128xf32, #tpu.memory_space<vmem>>, vector<1x16xf32>,
      %add3A_415 = arith.constant 0 : i32
      %add3A_416 = arith.addi %add3A_415, %scan3A_338 : i32
      %get3A_417 = arith.index_cast %add3A_416 : i32 to index
      %get3A_418 = arith.constant 112 : index
      %get3A_419 = tpu.vector_load %arg19[%get3A_417, %get3A_418] {strides = array<i32>} : memref<256x128xf32, #tpu.memory_space<vmem>>, vector<1x16xf32>,
      %get3A_420 = vector.shape_cast %get3A_419 : vector<1x16xf32> to vector<16xf32>
      %swap3A_421 = arith.index_cast %scan3A_338 : i32 to index
      %swap3A_422 = arith.constant 112 : index
      %swap3A_423 = tpu.vector_load %arg18[%swap3A_421, %swap3A_422] {strides = array<i32>} : memref<128x128xf32, #tpu.memory_space<vmem>>, vector<1x16xf32>,
      %swap3A_424 = vector.shape_cast %swap3A_423 : vector<1x16xf32> to vector<16xf32>
      %swap3A_425 = vector.shape_cast %get3A_420 : vector<16xf32> to vector<1x16xf32>
      tpu.vector_store %arg18[%swap3A_421, %swap3A_422], %swap3A_425 {add = true, strides = array<i32>} : memref<128x128xf32, #tpu.memory_space<vmem>>, vector<1x16xf32>,
      %scan3A_426 = arith.constant 0 : i32
      scf.yield %scan3A_426 : i32
    }
    %scan3A_248 = arith.constant 128 : i32
    %add3A_249 = arith.constant 16384 : i32
    %add3A_250 = arith.addi %add3A_249, %mul3A_2 : i32
    %add3A_251 = arith.constant 0 : i32
    %add3A_252 = arith.addi %add3A_250, %add3A_251 : i32
    %dma_start3A_253 = arith.constant 0 : i32
    %dma_start3A_254 = tpu.memref_slice %arg5[%add3A_252, %dma_start3A_253] : memref<32768x128xf32, #tpu.memory_space<hbm>> -> memref<128x128xf32, #tpu.memory_space<hbm>>
    %dma_start3A_255 = arith.constant 0 : i32
    %dma_start3A_256 = tpu.memref_slice %arg5[%add3A_252, %dma_start3A_255] : memref<32768x128xf32, #tpu.memory_space<hbm>> -> memref<128x128xf32, #tpu.memory_space<hbm>>
    tpu.enqueue_dma source(%arg18 : memref<128x128xf32, #tpu.memory_space<vmem>>) target(%dma_start3A_256 : memref<128x128xf32, #tpu.memory_space<hbm>>) target_semaphore(%arg29 : memref<!tpu.dma_semaphore, #tpu.memory_space<semaphore_mem>>)
    %dma_wait3A_257 = arith.constant 0 : i32
    %dma_wait3A_258 = tpu.memref_slice %arg5[%add3A_202, %dma_wait3A_257] : memref<32768x128xf32, #tpu.memory_space<hbm>> -> memref<128x128xf32, #tpu.memory_space<hbm>>
    %dma_wait3A_259 = arith.constant 0 : i32
    %dma_wait3A_260 = tpu.memref_slice %arg5[%add3A_202, %dma_wait3A_259] : memref<32768x128xf32, #tpu.memory_space<hbm>> -> memref<128x128xf32, #tpu.memory_space<hbm>>
    tpu.wait_dma2 semaphore(%arg27 : memref<!tpu.dma_semaphore, #tpu.memory_space<semaphore_mem>>) src(%arg16 : memref<128x128xf32, #tpu.memory_space<vmem>>) dst(%dma_wait3A_260 : memref<128x128xf32, #tpu.memory_space<hbm>>)
    %dma_start3A_261 = arith.constant 0 : i32
    %dma_start3A_262 = arith.constant 0 : i32
    %dma_start3A_263 = tpu.memref_slice %arg3[%dma_start3A_261, %dma_start3A_262] : memref<100000x128xf32, #tpu.memory_space<hbm>> -> memref<100000x128xf32, #tpu.memory_space<hbm>>
    tpu.enqueue_indirect_dma source(%dma_start3A_263 : memref<100000x128xf32, #tpu.memory_space<hbm>>) target(%arg16 : memref<128x128xf32, #tpu.memory_space<vmem>>) offsets(%arg13 : memref<128xi32, #tpu.memory_space<vmem>>) semaphore(%arg22 : memref<!tpu.dma_semaphore, #tpu.memory_space<semaphore_mem>>)
    %dma_wait3A_264 = arith.constant 0 : i32
    %dma_wait3A_265 = arith.constant 0 : i32
    %dma_wait3A_266 = tpu.memref_slice %arg3[%dma_wait3A_264, %dma_wait3A_265] : memref<100000x128xf32, #tpu.memory_space<hbm>> -> memref<100000x128xf32, #tpu.memory_space<hbm>>
    tpu.wait_indirect_dma semaphore(%arg20 : memref<!tpu.dma_semaphore, #tpu.memory_space<semaphore_mem>>) src(%dma_wait3A_266 : memref<100000x128xf32, #tpu.memory_space<hbm>>) dst(%arg14 : memref<128x128xf32, #tpu.memory_space<vmem>>)
    %scan3A_267 = arith.constant 0 : i32
    %scan3A_268 = arith.constant 0 : i32
    %scan3A_269 = arith.constant 128 : i32
    %scan3A_270 = arith.addi %scan3A_268, %scan3A_269 : i32
    %scan3A_271 = arith.constant 1 : i32
    %scan3A_272 = scf.for %scan3A_338 = %scan3A_268 to %scan3A_270 step %scan3A_271 iter_args(%scan3A_339 = %scan3A_267) -> (i32)  : i32 {
      %add3A_340 = arith.constant 128 : i32
      %add3A_341 = arith.addi %add3A_340, %scan3A_338 : i32
      %get3A = arith.index_cast %add3A_341 : i32 to index
      %get3A_342 = arith.constant 0 : index
      %get3A_343 = tpu.vector_load %arg19[%get3A, %get3A_342] {strides = array<i32>} : memref<256x128xf32, #tpu.memory_space<vmem>>, vector<1x16xf32>,
      %get3A_344 = vector.shape_cast %get3A_343 : vector<1x16xf32> to vector<16xf32>
      %swap3A = arith.index_cast %scan3A_338 : i32 to index
      %swap3A_345 = arith.constant 0 : index
      %swap3A_346 = tpu.vector_load %arg14[%swap3A, %swap3A_345] {strides = array<i32>} : memref<128x128xf32, #tpu.memory_space<vmem>>, vector<1x16xf32>,
      %swap3A_347 = vector.shape_cast %swap3A_346 : vector<1x16xf32> to vector<16xf32>
      %swap3A_348 = vector.shape_cast %get3A_344 : vector<16xf32> to vector<1x16xf32>
      tpu.vector_store %arg14[%swap3A, %swap3A_345], %swap3A_348 {add = true, strides = array<i32>} : memref<128x128xf32, #tpu.memory_space<vmem>>, vector<1x16xf32>,
      %add3A_349 = arith.constant 128 : i32
      %add3A_350 = arith.addi %add3A_349, %scan3A_338 : i32
      %get3A_351 = arith.index_cast %add3A_350 : i32 to index
      %get3A_352 = arith.constant 16 : index
      %get3A_353 = tpu.vector_load %arg19[%get3A_351, %get3A_352] {strides = array<i32>} : memref<256x128xf32, #tpu.memory_space<vmem>>, vector<1x16xf32>,
      %get3A_354 = vector.shape_cast %get3A_353 : vector<1x16xf32> to vector<16xf32>
      %swap3A_355 = arith.index_cast %scan3A_338 : i32 to index
      %swap3A_356 = arith.constant 16 : index
      %swap3A_357 = tpu.vector_load %arg14[%swap3A_355, %swap3A_356] {strides = array<i32>} : memref<128x128xf32, #tpu.memory_space<vmem>>, vector<1x16xf32>,
      %swap3A_358 = vector.shape_cast %swap3A_357 : vector<1x16xf32> to vector<16xf32>
      %swap3A_359 = vector.shape_cast %get3A_354 : vector<16xf32> to vector<1x16xf32>
      tpu.vector_store %arg14[%swap3A_355, %swap3A_356], %swap3A_359 {add = true, strides = array<i32>} : memref<128x128xf32, #tpu.memory_space<vmem>>, vector<1x16xf32>,
      %add3A_360 = arith.constant 128 : i32
      %add3A_361 = arith.addi %add3A_360, %scan3A_338 : i32
      %get3A_362 = arith.index_cast %add3A_361 : i32 to index
      %get3A_363 = arith.constant 32 : index
      %get3A_364 = tpu.vector_load %arg19[%get3A_362, %get3A_363] {strides = array<i32>} : memref<256x128xf32, #tpu.memory_space<vmem>>, vector<1x16xf32>,
      %get3A_365 = vector.shape_cast %get3A_364 : vector<1x16xf32> to vector<16xf32>
      %swap3A_366 = arith.index_cast %scan3A_338 : i32 to index
      %swap3A_367 = arith.constant 32 : index
      %swap3A_368 = tpu.vector_load %arg14[%swap3A_366, %swap3A_367] {strides = array<i32>} : memref<128x128xf32, #tpu.memory_space<vmem>>, vector<1x16xf32>,
      %swap3A_369 = vector.shape_cast %swap3A_368 : vector<1x16xf32> to vector<16xf32>
      %swap3A_370 = vector.shape_cast %get3A_365 : vector<16xf32> to vector<1x16xf32>
      tpu.vector_store %arg14[%swap3A_366, %swap3A_367], %swap3A_370 {add = true, strides = array<i32>} : memref<128x128xf32, #tpu.memory_space<vmem>>, vector<1x16xf32>,
      %add3A_371 = arith.constant 128 : i32
      %add3A_372 = arith.addi %add3A_371, %scan3A_338 : i32
      %get3A_373 = arith.index_cast %add3A_372 : i32 to index
      %get3A_374 = arith.constant 48 : index
      %get3A_375 = tpu.vector_load %arg19[%get3A_373, %get3A_374] {strides = array<i32>} : memref<256x128xf32, #tpu.memory_space<vmem>>, vector<1x16xf32>,
      %get3A_376 = vector.shape_cast %get3A_375 : vector<1x16xf32> to vector<16xf32>
      %swap3A_377 = arith.index_cast %scan3A_338 : i32 to index
      %swap3A_378 = arith.constant 48 : index
      %swap3A_379 = tpu.vector_load %arg14[%swap3A_377, %swap3A_378] {strides = array<i32>} : memref<128x128xf32, #tpu.memory_space<vmem>>, vector<1x16xf32>,
      %swap3A_380 = vector.shape_cast %swap3A_379 : vector<1x16xf32> to vector<16xf32>
      %swap3A_381 = vector.shape_cast %get3A_376 : vector<16xf32> to vector<1x16xf32>
      tpu.vector_store %arg14[%swap3A_377, %swap3A_378], %swap3A_381 {add = true, strides = array<i32>} : memref<128x128xf32, #tpu.memory_space<vmem>>, vector<1x16xf32>,
      %add3A_382 = arith.constant 128 : i32
      %add3A_383 = arith.addi %add3A_382, %scan3A_338 : i32
      %get3A_384 = arith.index_cast %add3A_383 : i32 to index
      %get3A_385 = arith.constant 64 : index
      %get3A_386 = tpu.vector_load %arg19[%get3A_384, %get3A_385] {strides = array<i32>} : memref<256x128xf32, #tpu.memory_space<vmem>>, vector<1x16xf32>,
      %get3A_387 = vector.shape_cast %get3A_386 : vector<1x16xf32> to vector<16xf32>
      %swap3A_388 = arith.index_cast %scan3A_338 : i32 to index
      %swap3A_389 = arith.constant 64 : index
      %swap3A_390 = tpu.vector_load %arg14[%swap3A_388, %swap3A_389] {strides = array<i32>} : memref<128x128xf32, #tpu.memory_space<vmem>>, vector<1x16xf32>,
      %swap3A_391 = vector.shape_cast %swap3A_390 : vector<1x16xf32> to vector<16xf32>
      %swap3A_392 = vector.shape_cast %get3A_387 : vector<16xf32> to vector<1x16xf32>
      tpu.vector_store %arg14[%swap3A_388, %swap3A_389], %swap3A_392 {add = true, strides = array<i32>} : memref<128x128xf32, #tpu.memory_space<vmem>>, vector<1x16xf32>,
      %add3A_393 = arith.constant 128 : i32
      %add3A_394 = arith.addi %add3A_393, %scan3A_338 : i32
      %get3A_395 = arith.index_cast %add3A_394 : i32 to index
      %get3A_396 = arith.constant 80 : index
      %get3A_397 = tpu.vector_load %arg19[%get3A_395, %get3A_396] {strides = array<i32>} : memref<256x128xf32, #tpu.memory_space<vmem>>, vector<1x16xf32>,
      %get3A_398 = vector.shape_cast %get3A_397 : vector<1x16xf32> to vector<16xf32>
      %swap3A_399 = arith.index_cast %scan3A_338 : i32 to index
      %swap3A_400 = arith.constant 80 : index
      %swap3A_401 = tpu.vector_load %arg14[%swap3A_399, %swap3A_400] {strides = array<i32>} : memref<128x128xf32, #tpu.memory_space<vmem>>, vector<1x16xf32>,
      %swap3A_402 = vector.shape_cast %swap3A_401 : vector<1x16xf32> to vector<16xf32>
      %swap3A_403 = vector.shape_cast %get3A_398 : vector<16xf32> to vector<1x16xf32>
      tpu.vector_store %arg14[%swap3A_399, %swap3A_400], %swap3A_403 {add = true, strides = array<i32>} : memref<128x128xf32, #tpu.memory_space<vmem>>, vector<1x16xf32>,
      %add3A_404 = arith.constant 128 : i32
      %add3A_405 = arith.addi %add3A_404, %scan3A_338 : i32
      %get3A_406 = arith.index_cast %add3A_405 : i32 to index
      %get3A_407 = arith.constant 96 : index
      %get3A_408 = tpu.vector_load %arg19[%get3A_406, %get3A_407] {strides = array<i32>} : memref<256x128xf32, #tpu.memory_space<vmem>>, vector<1x16xf32>,
      %get3A_409 = vector.shape_cast %get3A_408 : vector<1x16xf32> to vector<16xf32>
      %swap3A_410 = arith.index_cast %scan3A_338 : i32 to index
      %swap3A_411 = arith.constant 96 : index
      %swap3A_412 = tpu.vector_load %arg14[%swap3A_410, %swap3A_411] {strides = array<i32>} : memref<128x128xf32, #tpu.memory_space<vmem>>, vector<1x16xf32>,
      %swap3A_413 = vector.shape_cast %swap3A_412 : vector<1x16xf32> to vector<16xf32>
      %swap3A_414 = vector.shape_cast %get3A_409 : vector<16xf32> to vector<1x16xf32>
      tpu.vector_store %arg14[%swap3A_410, %swap3A_411], %swap3A_414 {add = true, strides = array<i32>} : memref<128x128xf32, #tpu.memory_space<vmem>>, vector<1x16xf32>,
      %add3A_415 = arith.constant 128 : i32
      %add3A_416 = arith.addi %add3A_415, %scan3A_338 : i32
      %get3A_417 = arith.index_cast %add3A_416 : i32 to index
      %get3A_418 = arith.constant 112 : index
      %get3A_419 = tpu.vector_load %arg19[%get3A_417, %get3A_418] {strides = array<i32>} : memref<256x128xf32, #tpu.memory_space<vmem>>, vector<1x16xf32>,
      %get3A_420 = vector.shape_cast %get3A_419 : vector<1x16xf32> to vector<16xf32>
      %swap3A_421 = arith.index_cast %scan3A_338 : i32 to index
      %swap3A_422 = arith.constant 112 : index
      %swap3A_423 = tpu.vector_load %arg14[%swap3A_421, %swap3A_422] {strides = array<i32>} : memref<128x128xf32, #tpu.memory_space<vmem>>, vector<1x16xf32>,
      %swap3A_424 = vector.shape_cast %swap3A_423 : vector<1x16xf32> to vector<16xf32>
      %swap3A_425 = vector.shape_cast %get3A_420 : vector<16xf32> to vector<1x16xf32>
      tpu.vector_store %arg14[%swap3A_421, %swap3A_422], %swap3A_425 {add = true, strides = array<i32>} : memref<128x128xf32, #tpu.memory_space<vmem>>, vector<1x16xf32>,
      %scan3A_426 = arith.constant 0 : i32
      scf.yield %scan3A_426 : i32
    }
    %scan3A_273 = arith.constant 128 : i32
    %add3A_274 = arith.constant 16384 : i32
    %add3A_275 = arith.addi %add3A_274, %mul3A_2 : i32
    %add3A_276 = arith.constant 128 : i32
    %add3A_277 = arith.addi %add3A_275, %add3A_276 : i32
    %dma_start3A_278 = arith.constant 0 : i32
    %dma_start3A_279 = tpu.memref_slice %arg5[%add3A_277, %dma_start3A_278] : memref<32768x128xf32, #tpu.memory_space<hbm>> -> memref<128x128xf32, #tpu.memory_space<hbm>>
    %dma_start3A_280 = arith.constant 0 : i32
    %dma_start3A_281 = tpu.memref_slice %arg5[%add3A_277, %dma_start3A_280] : memref<32768x128xf32, #tpu.memory_space<hbm>> -> memref<128x128xf32, #tpu.memory_space<hbm>>
    tpu.enqueue_dma source(%arg14 : memref<128x128xf32, #tpu.memory_space<vmem>>) target(%dma_start3A_281 : memref<128x128xf32, #tpu.memory_space<hbm>>) target_semaphore(%arg25 : memref<!tpu.dma_semaphore, #tpu.memory_space<semaphore_mem>>)
    %dma_wait3A_282 = arith.constant 0 : i32
    %dma_wait3A_283 = arith.constant 0 : i32
    %dma_wait3A_284 = tpu.memref_slice %arg3[%dma_wait3A_282, %dma_wait3A_283] : memref<100000x128xf32, #tpu.memory_space<hbm>> -> memref<100000x128xf32, #tpu.memory_space<hbm>>
    tpu.wait_indirect_dma semaphore(%arg21 : memref<!tpu.dma_semaphore, #tpu.memory_space<semaphore_mem>>) src(%dma_wait3A_284 : memref<100000x128xf32, #tpu.memory_space<hbm>>) dst(%arg15 : memref<128x128xf32, #tpu.memory_space<vmem>>)
    %scan3A_285 = arith.constant 0 : i32
    %scan3A_286 = arith.constant 0 : i32
    %scan3A_287 = arith.constant 128 : i32
    %scan3A_288 = arith.addi %scan3A_286, %scan3A_287 : i32
    %scan3A_289 = arith.constant 1 : i32
    %scan3A_290 = scf.for %scan3A_338 = %scan3A_286 to %scan3A_288 step %scan3A_289 iter_args(%scan3A_339 = %scan3A_285) -> (i32)  : i32 {
      %add3A_340 = arith.constant 0 : i32
      %add3A_341 = arith.addi %add3A_340, %scan3A_338 : i32
      %get3A = arith.index_cast %add3A_341 : i32 to index
      %get3A_342 = arith.constant 0 : index
      %get3A_343 = tpu.vector_load %arg19[%get3A, %get3A_342] {strides = array<i32>} : memref<256x128xf32, #tpu.memory_space<vmem>>, vector<1x16xf32>,
      %get3A_344 = vector.shape_cast %get3A_343 : vector<1x16xf32> to vector<16xf32>
      %swap3A = arith.index_cast %scan3A_338 : i32 to index
      %swap3A_345 = arith.constant 0 : index
      %swap3A_346 = tpu.vector_load %arg15[%swap3A, %swap3A_345] {strides = array<i32>} : memref<128x128xf32, #tpu.memory_space<vmem>>, vector<1x16xf32>,
      %swap3A_347 = vector.shape_cast %swap3A_346 : vector<1x16xf32> to vector<16xf32>
      %swap3A_348 = vector.shape_cast %get3A_344 : vector<16xf32> to vector<1x16xf32>
      tpu.vector_store %arg15[%swap3A, %swap3A_345], %swap3A_348 {add = true, strides = array<i32>} : memref<128x128xf32, #tpu.memory_space<vmem>>, vector<1x16xf32>,
      %add3A_349 = arith.constant 0 : i32
      %add3A_350 = arith.addi %add3A_349, %scan3A_338 : i32
      %get3A_351 = arith.index_cast %add3A_350 : i32 to index
      %get3A_352 = arith.constant 16 : index
      %get3A_353 = tpu.vector_load %arg19[%get3A_351, %get3A_352] {strides = array<i32>} : memref<256x128xf32, #tpu.memory_space<vmem>>, vector<1x16xf32>,
      %get3A_354 = vector.shape_cast %get3A_353 : vector<1x16xf32> to vector<16xf32>
      %swap3A_355 = arith.index_cast %scan3A_338 : i32 to index
      %swap3A_356 = arith.constant 16 : index
      %swap3A_357 = tpu.vector_load %arg15[%swap3A_355, %swap3A_356] {strides = array<i32>} : memref<128x128xf32, #tpu.memory_space<vmem>>, vector<1x16xf32>,
      %swap3A_358 = vector.shape_cast %swap3A_357 : vector<1x16xf32> to vector<16xf32>
      %swap3A_359 = vector.shape_cast %get3A_354 : vector<16xf32> to vector<1x16xf32>
      tpu.vector_store %arg15[%swap3A_355, %swap3A_356], %swap3A_359 {add = true, strides = array<i32>} : memref<128x128xf32, #tpu.memory_space<vmem>>, vector<1x16xf32>,
      %add3A_360 = arith.constant 0 : i32
      %add3A_361 = arith.addi %add3A_360, %scan3A_338 : i32
      %get3A_362 = arith.index_cast %add3A_361 : i32 to index
      %get3A_363 = arith.constant 32 : index
      %get3A_364 = tpu.vector_load %arg19[%get3A_362, %get3A_363] {strides = array<i32>} : memref<256x128xf32, #tpu.memory_space<vmem>>, vector<1x16xf32>,
      %get3A_365 = vector.shape_cast %get3A_364 : vector<1x16xf32> to vector<16xf32>
      %swap3A_366 = arith.index_cast %scan3A_338 : i32 to index
      %swap3A_367 = arith.constant 32 : index
      %swap3A_368 = tpu.vector_load %arg15[%swap3A_366, %swap3A_367] {strides = array<i32>} : memref<128x128xf32, #tpu.memory_space<vmem>>, vector<1x16xf32>,
      %swap3A_369 = vector.shape_cast %swap3A_368 : vector<1x16xf32> to vector<16xf32>
      %swap3A_370 = vector.shape_cast %get3A_365 : vector<16xf32> to vector<1x16xf32>
      tpu.vector_store %arg15[%swap3A_366, %swap3A_367], %swap3A_370 {add = true, strides = array<i32>} : memref<128x128xf32, #tpu.memory_space<vmem>>, vector<1x16xf32>,
      %add3A_371 = arith.constant 0 : i32
      %add3A_372 = arith.addi %add3A_371, %scan3A_338 : i32
      %get3A_373 = arith.index_cast %add3A_372 : i32 to index
      %get3A_374 = arith.constant 48 : index
      %get3A_375 = tpu.vector_load %arg19[%get3A_373, %get3A_374] {strides = array<i32>} : memref<256x128xf32, #tpu.memory_space<vmem>>, vector<1x16xf32>,
      %get3A_376 = vector.shape_cast %get3A_375 : vector<1x16xf32> to vector<16xf32>
      %swap3A_377 = arith.index_cast %scan3A_338 : i32 to index
      %swap3A_378 = arith.constant 48 : index
      %swap3A_379 = tpu.vector_load %arg15[%swap3A_377, %swap3A_378] {strides = array<i32>} : memref<128x128xf32, #tpu.memory_space<vmem>>, vector<1x16xf32>,
      %swap3A_380 = vector.shape_cast %swap3A_379 : vector<1x16xf32> to vector<16xf32>
      %swap3A_381 = vector.shape_cast %get3A_376 : vector<16xf32> to vector<1x16xf32>
      tpu.vector_store %arg15[%swap3A_377, %swap3A_378], %swap3A_381 {add = true, strides = array<i32>} : memref<128x128xf32, #tpu.memory_space<vmem>>, vector<1x16xf32>,
      %add3A_382 = arith.constant 0 : i32
      %add3A_383 = arith.addi %add3A_382, %scan3A_338 : i32
      %get3A_384 = arith.index_cast %add3A_383 : i32 to index
      %get3A_385 = arith.constant 64 : index
      %get3A_386 = tpu.vector_load %arg19[%get3A_384, %get3A_385] {strides = array<i32>} : memref<256x128xf32, #tpu.memory_space<vmem>>, vector<1x16xf32>,
      %get3A_387 = vector.shape_cast %get3A_386 : vector<1x16xf32> to vector<16xf32>
      %swap3A_388 = arith.index_cast %scan3A_338 : i32 to index
      %swap3A_389 = arith.constant 64 : index
      %swap3A_390 = tpu.vector_load %arg15[%swap3A_388, %swap3A_389] {strides = array<i32>} : memref<128x128xf32, #tpu.memory_space<vmem>>, vector<1x16xf32>,
      %swap3A_391 = vector.shape_cast %swap3A_390 : vector<1x16xf32> to vector<16xf32>
      %swap3A_392 = vector.shape_cast %get3A_387 : vector<16xf32> to vector<1x16xf32>
      tpu.vector_store %arg15[%swap3A_388, %swap3A_389], %swap3A_392 {add = true, strides = array<i32>} : memref<128x128xf32, #tpu.memory_space<vmem>>, vector<1x16xf32>,
      %add3A_393 = arith.constant 0 : i32
      %add3A_394 = arith.addi %add3A_393, %scan3A_338 : i32
      %get3A_395 = arith.index_cast %add3A_394 : i32 to index
      %get3A_396 = arith.constant 80 : index
      %get3A_397 = tpu.vector_load %arg19[%get3A_395, %get3A_396] {strides = array<i32>} : memref<256x128xf32, #tpu.memory_space<vmem>>, vector<1x16xf32>,
      %get3A_398 = vector.shape_cast %get3A_397 : vector<1x16xf32> to vector<16xf32>
      %swap3A_399 = arith.index_cast %scan3A_338 : i32 to index
      %swap3A_400 = arith.constant 80 : index
      %swap3A_401 = tpu.vector_load %arg15[%swap3A_399, %swap3A_400] {strides = array<i32>} : memref<128x128xf32, #tpu.memory_space<vmem>>, vector<1x16xf32>,
      %swap3A_402 = vector.shape_cast %swap3A_401 : vector<1x16xf32> to vector<16xf32>
      %swap3A_403 = vector.shape_cast %get3A_398 : vector<16xf32> to vector<1x16xf32>
      tpu.vector_store %arg15[%swap3A_399, %swap3A_400], %swap3A_403 {add = true, strides = array<i32>} : memref<128x128xf32, #tpu.memory_space<vmem>>, vector<1x16xf32>,
      %add3A_404 = arith.constant 0 : i32
      %add3A_405 = arith.addi %add3A_404, %scan3A_338 : i32
      %get3A_406 = arith.index_cast %add3A_405 : i32 to index
      %get3A_407 = arith.constant 96 : index
      %get3A_408 = tpu.vector_load %arg19[%get3A_406, %get3A_407] {strides = array<i32>} : memref<256x128xf32, #tpu.memory_space<vmem>>, vector<1x16xf32>,
      %get3A_409 = vector.shape_cast %get3A_408 : vector<1x16xf32> to vector<16xf32>
      %swap3A_410 = arith.index_cast %scan3A_338 : i32 to index
      %swap3A_411 = arith.constant 96 : index
      %swap3A_412 = tpu.vector_load %arg15[%swap3A_410, %swap3A_411] {strides = array<i32>} : memref<128x128xf32, #tpu.memory_space<vmem>>, vector<1x16xf32>,
      %swap3A_413 = vector.shape_cast %swap3A_412 : vector<1x16xf32> to vector<16xf32>
      %swap3A_414 = vector.shape_cast %get3A_409 : vector<16xf32> to vector<1x16xf32>
      tpu.vector_store %arg15[%swap3A_410, %swap3A_411], %swap3A_414 {add = true, strides = array<i32>} : memref<128x128xf32, #tpu.memory_space<vmem>>, vector<1x16xf32>,
      %add3A_415 = arith.constant 0 : i32
      %add3A_416 = arith.addi %add3A_415, %scan3A_338 : i32
      %get3A_417 = arith.index_cast %add3A_416 : i32 to index
      %get3A_418 = arith.constant 112 : index
      %get3A_419 = tpu.vector_load %arg19[%get3A_417, %get3A_418] {strides = array<i32>} : memref<256x128xf32, #tpu.memory_space<vmem>>, vector<1x16xf32>,
      %get3A_420 = vector.shape_cast %get3A_419 : vector<1x16xf32> to vector<16xf32>
      %swap3A_421 = arith.index_cast %scan3A_338 : i32 to index
      %swap3A_422 = arith.constant 112 : index
      %swap3A_423 = tpu.vector_load %arg15[%swap3A_421, %swap3A_422] {strides = array<i32>} : memref<128x128xf32, #tpu.memory_space<vmem>>, vector<1x16xf32>,
      %swap3A_424 = vector.shape_cast %swap3A_423 : vector<1x16xf32> to vector<16xf32>
      %swap3A_425 = vector.shape_cast %get3A_420 : vector<16xf32> to vector<1x16xf32>
      tpu.vector_store %arg15[%swap3A_421, %swap3A_422], %swap3A_425 {add = true, strides = array<i32>} : memref<128x128xf32, #tpu.memory_space<vmem>>, vector<1x16xf32>,
      %scan3A_426 = arith.constant 0 : i32
      scf.yield %scan3A_426 : i32
    }
    %scan3A_291 = arith.constant 128 : i32
    %add3A_292 = arith.constant 24576 : i32
    %add3A_293 = arith.addi %add3A_292, %mul3A_2 : i32
    %add3A_294 = arith.constant 0 : i32
    %add3A_295 = arith.addi %add3A_293, %add3A_294 : i32
    %dma_start3A_296 = arith.constant 0 : i32
    %dma_start3A_297 = tpu.memref_slice %arg5[%add3A_295, %dma_start3A_296] : memref<32768x128xf32, #tpu.memory_space<hbm>> -> memref<128x128xf32, #tpu.memory_space<hbm>>
    %dma_start3A_298 = arith.constant 0 : i32
    %dma_start3A_299 = tpu.memref_slice %arg5[%add3A_295, %dma_start3A_298] : memref<32768x128xf32, #tpu.memory_space<hbm>> -> memref<128x128xf32, #tpu.memory_space<hbm>>
    tpu.enqueue_dma source(%arg15 : memref<128x128xf32, #tpu.memory_space<vmem>>) target(%dma_start3A_299 : memref<128x128xf32, #tpu.memory_space<hbm>>) target_semaphore(%arg26 : memref<!tpu.dma_semaphore, #tpu.memory_space<semaphore_mem>>)
    %dma_wait3A_300 = arith.constant 0 : i32
    %dma_wait3A_301 = arith.constant 0 : i32
    %dma_wait3A_302 = tpu.memref_slice %arg3[%dma_wait3A_300, %dma_wait3A_301] : memref<100000x128xf32, #tpu.memory_space<hbm>> -> memref<100000x128xf32, #tpu.memory_space<hbm>>
    tpu.wait_indirect_dma semaphore(%arg22 : memref<!tpu.dma_semaphore, #tpu.memory_space<semaphore_mem>>) src(%dma_wait3A_302 : memref<100000x128xf32, #tpu.memory_space<hbm>>) dst(%arg16 : memref<128x128xf32, #tpu.memory_space<vmem>>)
    %scan3A_303 = arith.constant 0 : i32
    %scan3A_304 = arith.constant 0 : i32
    %scan3A_305 = arith.constant 128 : i32
    %scan3A_306 = arith.addi %scan3A_304, %scan3A_305 : i32
    %scan3A_307 = arith.constant 1 : i32
    %scan3A_308 = scf.for %scan3A_338 = %scan3A_304 to %scan3A_306 step %scan3A_307 iter_args(%scan3A_339 = %scan3A_303) -> (i32)  : i32 {
      %add3A_340 = arith.constant 128 : i32
      %add3A_341 = arith.addi %add3A_340, %scan3A_338 : i32
      %get3A = arith.index_cast %add3A_341 : i32 to index
      %get3A_342 = arith.constant 0 : index
      %get3A_343 = tpu.vector_load %arg19[%get3A, %get3A_342] {strides = array<i32>} : memref<256x128xf32, #tpu.memory_space<vmem>>, vector<1x16xf32>,
      %get3A_344 = vector.shape_cast %get3A_343 : vector<1x16xf32> to vector<16xf32>
      %swap3A = arith.index_cast %scan3A_338 : i32 to index
      %swap3A_345 = arith.constant 0 : index
      %swap3A_346 = tpu.vector_load %arg16[%swap3A, %swap3A_345] {strides = array<i32>} : memref<128x128xf32, #tpu.memory_space<vmem>>, vector<1x16xf32>,
      %swap3A_347 = vector.shape_cast %swap3A_346 : vector<1x16xf32> to vector<16xf32>
      %swap3A_348 = vector.shape_cast %get3A_344 : vector<16xf32> to vector<1x16xf32>
      tpu.vector_store %arg16[%swap3A, %swap3A_345], %swap3A_348 {add = true, strides = array<i32>} : memref<128x128xf32, #tpu.memory_space<vmem>>, vector<1x16xf32>,
      %add3A_349 = arith.constant 128 : i32
      %add3A_350 = arith.addi %add3A_349, %scan3A_338 : i32
      %get3A_351 = arith.index_cast %add3A_350 : i32 to index
      %get3A_352 = arith.constant 16 : index
      %get3A_353 = tpu.vector_load %arg19[%get3A_351, %get3A_352] {strides = array<i32>} : memref<256x128xf32, #tpu.memory_space<vmem>>, vector<1x16xf32>,
      %get3A_354 = vector.shape_cast %get3A_353 : vector<1x16xf32> to vector<16xf32>
      %swap3A_355 = arith.index_cast %scan3A_338 : i32 to index
      %swap3A_356 = arith.constant 16 : index
      %swap3A_357 = tpu.vector_load %arg16[%swap3A_355, %swap3A_356] {strides = array<i32>} : memref<128x128xf32, #tpu.memory_space<vmem>>, vector<1x16xf32>,
      %swap3A_358 = vector.shape_cast %swap3A_357 : vector<1x16xf32> to vector<16xf32>
      %swap3A_359 = vector.shape_cast %get3A_354 : vector<16xf32> to vector<1x16xf32>
      tpu.vector_store %arg16[%swap3A_355, %swap3A_356], %swap3A_359 {add = true, strides = array<i32>} : memref<128x128xf32, #tpu.memory_space<vmem>>, vector<1x16xf32>,
      %add3A_360 = arith.constant 128 : i32
      %add3A_361 = arith.addi %add3A_360, %scan3A_338 : i32
      %get3A_362 = arith.index_cast %add3A_361 : i32 to index
      %get3A_363 = arith.constant 32 : index
      %get3A_364 = tpu.vector_load %arg19[%get3A_362, %get3A_363] {strides = array<i32>} : memref<256x128xf32, #tpu.memory_space<vmem>>, vector<1x16xf32>,
      %get3A_365 = vector.shape_cast %get3A_364 : vector<1x16xf32> to vector<16xf32>
      %swap3A_366 = arith.index_cast %scan3A_338 : i32 to index
      %swap3A_367 = arith.constant 32 : index
      %swap3A_368 = tpu.vector_load %arg16[%swap3A_366, %swap3A_367] {strides = array<i32>} : memref<128x128xf32, #tpu.memory_space<vmem>>, vector<1x16xf32>,
      %swap3A_369 = vector.shape_cast %swap3A_368 : vector<1x16xf32> to vector<16xf32>
      %swap3A_370 = vector.shape_cast %get3A_365 : vector<16xf32> to vector<1x16xf32>
      tpu.vector_store %arg16[%swap3A_366, %swap3A_367], %swap3A_370 {add = true, strides = array<i32>} : memref<128x128xf32, #tpu.memory_space<vmem>>, vector<1x16xf32>,
      %add3A_371 = arith.constant 128 : i32
      %add3A_372 = arith.addi %add3A_371, %scan3A_338 : i32
      %get3A_373 = arith.index_cast %add3A_372 : i32 to index
      %get3A_374 = arith.constant 48 : index
      %get3A_375 = tpu.vector_load %arg19[%get3A_373, %get3A_374] {strides = array<i32>} : memref<256x128xf32, #tpu.memory_space<vmem>>, vector<1x16xf32>,
      %get3A_376 = vector.shape_cast %get3A_375 : vector<1x16xf32> to vector<16xf32>
      %swap3A_377 = arith.index_cast %scan3A_338 : i32 to index
      %swap3A_378 = arith.constant 48 : index
      %swap3A_379 = tpu.vector_load %arg16[%swap3A_377, %swap3A_378] {strides = array<i32>} : memref<128x128xf32, #tpu.memory_space<vmem>>, vector<1x16xf32>,
      %swap3A_380 = vector.shape_cast %swap3A_379 : vector<1x16xf32> to vector<16xf32>
      %swap3A_381 = vector.shape_cast %get3A_376 : vector<16xf32> to vector<1x16xf32>
      tpu.vector_store %arg16[%swap3A_377, %swap3A_378], %swap3A_381 {add = true, strides = array<i32>} : memref<128x128xf32, #tpu.memory_space<vmem>>, vector<1x16xf32>,
      %add3A_382 = arith.constant 128 : i32
      %add3A_383 = arith.addi %add3A_382, %scan3A_338 : i32
      %get3A_384 = arith.index_cast %add3A_383 : i32 to index
      %get3A_385 = arith.constant 64 : index
      %get3A_386 = tpu.vector_load %arg19[%get3A_384, %get3A_385] {strides = array<i32>} : memref<256x128xf32, #tpu.memory_space<vmem>>, vector<1x16xf32>,
      %get3A_387 = vector.shape_cast %get3A_386 : vector<1x16xf32> to vector<16xf32>
      %swap3A_388 = arith.index_cast %scan3A_338 : i32 to index
      %swap3A_389 = arith.constant 64 : index
      %swap3A_390 = tpu.vector_load %arg16[%swap3A_388, %swap3A_389] {strides = array<i32>} : memref<128x128xf32, #tpu.memory_space<vmem>>, vector<1x16xf32>,
      %swap3A_391 = vector.shape_cast %swap3A_390 : vector<1x16xf32> to vector<16xf32>
      %swap3A_392 = vector.shape_cast %get3A_387 : vector<16xf32> to vector<1x16xf32>
      tpu.vector_store %arg16[%swap3A_388, %swap3A_389], %swap3A_392 {add = true, strides = array<i32>} : memref<128x128xf32, #tpu.memory_space<vmem>>, vector<1x16xf32>,
      %add3A_393 = arith.constant 128 : i32
      %add3A_394 = arith.addi %add3A_393, %scan3A_338 : i32
      %get3A_395 = arith.index_cast %add3A_394 : i32 to index
      %get3A_396 = arith.constant 80 : index
      %get3A_397 = tpu.vector_load %arg19[%get3A_395, %get3A_396] {strides = array<i32>} : memref<256x128xf32, #tpu.memory_space<vmem>>, vector<1x16xf32>,
      %get3A_398 = vector.shape_cast %get3A_397 : vector<1x16xf32> to vector<16xf32>
      %swap3A_399 = arith.index_cast %scan3A_338 : i32 to index
      %swap3A_400 = arith.constant 80 : index
      %swap3A_401 = tpu.vector_load %arg16[%swap3A_399, %swap3A_400] {strides = array<i32>} : memref<128x128xf32, #tpu.memory_space<vmem>>, vector<1x16xf32>,
      %swap3A_402 = vector.shape_cast %swap3A_401 : vector<1x16xf32> to vector<16xf32>
      %swap3A_403 = vector.shape_cast %get3A_398 : vector<16xf32> to vector<1x16xf32>
      tpu.vector_store %arg16[%swap3A_399, %swap3A_400], %swap3A_403 {add = true, strides = array<i32>} : memref<128x128xf32, #tpu.memory_space<vmem>>, vector<1x16xf32>,
      %add3A_404 = arith.constant 128 : i32
      %add3A_405 = arith.addi %add3A_404, %scan3A_338 : i32
      %get3A_406 = arith.index_cast %add3A_405 : i32 to index
      %get3A_407 = arith.constant 96 : index
      %get3A_408 = tpu.vector_load %arg19[%get3A_406, %get3A_407] {strides = array<i32>} : memref<256x128xf32, #tpu.memory_space<vmem>>, vector<1x16xf32>,
      %get3A_409 = vector.shape_cast %get3A_408 : vector<1x16xf32> to vector<16xf32>
      %swap3A_410 = arith.index_cast %scan3A_338 : i32 to index
      %swap3A_411 = arith.constant 96 : index
      %swap3A_412 = tpu.vector_load %arg16[%swap3A_410, %swap3A_411] {strides = array<i32>} : memref<128x128xf32, #tpu.memory_space<vmem>>, vector<1x16xf32>,
      %swap3A_413 = vector.shape_cast %swap3A_412 : vector<1x16xf32> to vector<16xf32>
      %swap3A_414 = vector.shape_cast %get3A_409 : vector<16xf32> to vector<1x16xf32>
      tpu.vector_store %arg16[%swap3A_410, %swap3A_411], %swap3A_414 {add = true, strides = array<i32>} : memref<128x128xf32, #tpu.memory_space<vmem>>, vector<1x16xf32>,
      %add3A_415 = arith.constant 128 : i32
      %add3A_416 = arith.addi %add3A_415, %scan3A_338 : i32
      %get3A_417 = arith.index_cast %add3A_416 : i32 to index
      %get3A_418 = arith.constant 112 : index
      %get3A_419 = tpu.vector_load %arg19[%get3A_417, %get3A_418] {strides = array<i32>} : memref<256x128xf32, #tpu.memory_space<vmem>>, vector<1x16xf32>,
      %get3A_420 = vector.shape_cast %get3A_419 : vector<1x16xf32> to vector<16xf32>
      %swap3A_421 = arith.index_cast %scan3A_338 : i32 to index
      %swap3A_422 = arith.constant 112 : index
      %swap3A_423 = tpu.vector_load %arg16[%swap3A_421, %swap3A_422] {strides = array<i32>} : memref<128x128xf32, #tpu.memory_space<vmem>>, vector<1x16xf32>,
      %swap3A_424 = vector.shape_cast %swap3A_423 : vector<1x16xf32> to vector<16xf32>
      %swap3A_425 = vector.shape_cast %get3A_420 : vector<16xf32> to vector<1x16xf32>
      tpu.vector_store %arg16[%swap3A_421, %swap3A_422], %swap3A_425 {add = true, strides = array<i32>} : memref<128x128xf32, #tpu.memory_space<vmem>>, vector<1x16xf32>,
      %scan3A_426 = arith.constant 0 : i32
      scf.yield %scan3A_426 : i32
    }
    %scan3A_309 = arith.constant 128 : i32
    %add3A_310 = arith.constant 24576 : i32
    %add3A_311 = arith.addi %add3A_310, %mul3A_2 : i32
    %add3A_312 = arith.constant 128 : i32
    %add3A_313 = arith.addi %add3A_311, %add3A_312 : i32
    %dma_start3A_314 = arith.constant 0 : i32
    %dma_start3A_315 = tpu.memref_slice %arg5[%add3A_313, %dma_start3A_314] : memref<32768x128xf32, #tpu.memory_space<hbm>> -> memref<128x128xf32, #tpu.memory_space<hbm>>
    %dma_start3A_316 = arith.constant 0 : i32
    %dma_start3A_317 = tpu.memref_slice %arg5[%add3A_313, %dma_start3A_316] : memref<32768x128xf32, #tpu.memory_space<hbm>> -> memref<128x128xf32, #tpu.memory_space<hbm>>
    tpu.enqueue_dma source(%arg16 : memref<128x128xf32, #tpu.memory_space<vmem>>) target(%dma_start3A_317 : memref<128x128xf32, #tpu.memory_space<hbm>>) target_semaphore(%arg27 : memref<!tpu.dma_semaphore, #tpu.memory_space<semaphore_mem>>)
    %dma_wait3A_318 = arith.constant 0 : i32
    %dma_wait3A_319 = tpu.memref_slice %arg5[%add3A_227, %dma_wait3A_318] : memref<32768x128xf32, #tpu.memory_space<hbm>> -> memref<128x128xf32, #tpu.memory_space<hbm>>
    %dma_wait3A_320 = arith.constant 0 : i32
    %dma_wait3A_321 = tpu.memref_slice %arg5[%add3A_227, %dma_wait3A_320] : memref<32768x128xf32, #tpu.memory_space<hbm>> -> memref<128x128xf32, #tpu.memory_space<hbm>>
    tpu.wait_dma2 semaphore(%arg28 : memref<!tpu.dma_semaphore, #tpu.memory_space<semaphore_mem>>) src(%arg17 : memref<128x128xf32, #tpu.memory_space<vmem>>) dst(%dma_wait3A_321 : memref<128x128xf32, #tpu.memory_space<hbm>>)
    %dma_wait3A_322 = arith.constant 0 : i32
    %dma_wait3A_323 = tpu.memref_slice %arg5[%add3A_252, %dma_wait3A_322] : memref<32768x128xf32, #tpu.memory_space<hbm>> -> memref<128x128xf32, #tpu.memory_space<hbm>>
    %dma_wait3A_324 = arith.constant 0 : i32
    %dma_wait3A_325 = tpu.memref_slice %arg5[%add3A_252, %dma_wait3A_324] : memref<32768x128xf32, #tpu.memory_space<hbm>> -> memref<128x128xf32, #tpu.memory_space<hbm>>
    tpu.wait_dma2 semaphore(%arg29 : memref<!tpu.dma_semaphore, #tpu.memory_space<semaphore_mem>>) src(%arg18 : memref<128x128xf32, #tpu.memory_space<vmem>>) dst(%dma_wait3A_325 : memref<128x128xf32, #tpu.memory_space<hbm>>)
    %dma_wait3A_326 = arith.constant 0 : i32
    %dma_wait3A_327 = tpu.memref_slice %arg5[%add3A_277, %dma_wait3A_326] : memref<32768x128xf32, #tpu.memory_space<hbm>> -> memref<128x128xf32, #tpu.memory_space<hbm>>
    %dma_wait3A_328 = arith.constant 0 : i32
    %dma_wait3A_329 = tpu.memref_slice %arg5[%add3A_277, %dma_wait3A_328] : memref<32768x128xf32, #tpu.memory_space<hbm>> -> memref<128x128xf32, #tpu.memory_space<hbm>>
    tpu.wait_dma2 semaphore(%arg25 : memref<!tpu.dma_semaphore, #tpu.memory_space<semaphore_mem>>) src(%arg14 : memref<128x128xf32, #tpu.memory_space<vmem>>) dst(%dma_wait3A_329 : memref<128x128xf32, #tpu.memory_space<hbm>>)
    %dma_wait3A_330 = arith.constant 0 : i32
    %dma_wait3A_331 = tpu.memref_slice %arg5[%add3A_295, %dma_wait3A_330] : memref<32768x128xf32, #tpu.memory_space<hbm>> -> memref<128x128xf32, #tpu.memory_space<hbm>>
    %dma_wait3A_332 = arith.constant 0 : i32
    %dma_wait3A_333 = tpu.memref_slice %arg5[%add3A_295, %dma_wait3A_332] : memref<32768x128xf32, #tpu.memory_space<hbm>> -> memref<128x128xf32, #tpu.memory_space<hbm>>
    tpu.wait_dma2 semaphore(%arg26 : memref<!tpu.dma_semaphore, #tpu.memory_space<semaphore_mem>>) src(%arg15 : memref<128x128xf32, #tpu.memory_space<vmem>>) dst(%dma_wait3A_333 : memref<128x128xf32, #tpu.memory_space<hbm>>)
    %dma_wait3A_334 = arith.constant 0 : i32
    %dma_wait3A_335 = tpu.memref_slice %arg5[%add3A_313, %dma_wait3A_334] : memref<32768x128xf32, #tpu.memory_space<hbm>> -> memref<128x128xf32, #tpu.memory_space<hbm>>
    %dma_wait3A_336 = arith.constant 0 : i32
    %dma_wait3A_337 = tpu.memref_slice %arg5[%add3A_313, %dma_wait3A_336] : memref<32768x128xf32, #tpu.memory_space<hbm>> -> memref<128x128xf32, #tpu.memory_space<hbm>>
    tpu.wait_dma2 semaphore(%arg27 : memref<!tpu.dma_semaphore, #tpu.memory_space<semaphore_mem>>) src(%arg16 : memref<128x128xf32, #tpu.memory_space<vmem>>) dst(%dma_wait3A_337 : memref<128x128xf32, #tpu.memory_space<hbm>>)
    return
  }
}

</mosaic_0001>

<sc_bundles>
// kernel: kernel.3.cloned.1.call-start
scs
__scs_entry_jumppad:
0x0: {  	(pc) =	sbr.rel $0x88, $3  }
0x1: {  	(tag) =	ssettag $0x0;
	lr =	simm.s32 $0x1  }
0x2: {  	[smem:$0x3F9E] =	sst lr;
	_ =	strace $0xD0000000  }
0x3: {  	_ = 	snop  }
0x4: {  	_ = 	snop  }
0x5: {  	_ = 	snop  }
0x6: {  	_ = 	snop  }
0x7: {  	_ = 	snop  }
__scs_overlays_trampoline_lowered:
0x8: {  	[smem:$0x3FAD] =	sst s0  }
0x9: {  	[smem:$0x3FAE] =	sst s1  }
0xa: {  	[smem:$0x3FAF] =	sst s2  }
0xb: {  	[smem:$0x3FB0] =	sst s3  }
0xc: {  	[smem:$0x3FB1] =	sst s4  }
0xd: {  	[smem:$0x3FB2] =	sst s5  }
0xe: {  	[smem:$0x3FB3] =	sst s6  }
0xf: {  	[smem:$0x3FB4] =	sst s7  }
0x10: {  	[smem:$0x3FB5] =	sst s8  }
0x11: {  	[smem:$0x3FB6] =	sst s9;
	s0 =	simm.s32 @!p0 $0x0  }
0x12: {  	s1 =	sld [smem:$0x3F9C];
	s0 =	simm.s32 @p0 $0x1  }
0x13: {  	[smem:$0x3FB7] =	sst s0;
	s0 =	simm.s32 @!p1 $0x0  }
0x14: {  	s2 =	sld [smem:$0x3F9B];
	s0 =	simm.s32 @p1 $0x1  }
0x15: {  	[smem:$0x3FB8] =	sst s0;
	s0 =	simm.s32 @!p2 $0x0  }
0x16: {  	s3 =	sld [smem:$0x3FDB];
	s0 =	simm.s32 @p2 $0x1  }
0x17: {  	s4 =	simm.s32 $0x1BF5;
	[smem:$0x3FBA] =	sst s0  }
0x18: {  	s0 =	sld [smem:$0x3F9D];
	_ =	swait.ge [sflag:s4], $0x0  }
0x19: {  	s7 =	sld [smem:$0x3F9E]  }
0x1a: {  	s8 =	sadd.s32 $0xFFFFE003, lr  }
0x1b: {  	s9 =	sadd.s32 $0xFFFFFEF7, lr;
	s5 =	simm.s32 $0xFFFFFFFF;
	p2 =	slt.u32 s8, $0xFFFFF086  }
0x1c: {  	p1 =	slt.u32 s9, $0xF7A;
	s5 =	simm.s32 @!p2 $0x0  }
0x1d: {  	s5 =	simm.s32 @p1 $0x1;
	p0 =	seq.s32 s7, s2  }
0x1e: {  	s7 =	smul.u32 @!p0 $0xF7A, s2;
	p2 =	seq.s32 @!p0 s5, $0x0  }
0x1f: {  	s9 =	smul.u32 $0xF7A, s1;
	s8 =	simm.s32 @!p0 $0x1BF5;
	p2 =	por !p2, p0  }
0x20: {  	[sflag:s8] =	ssyncset.s32 @!p0 $0xFFFFF086;
	s6 =	sadd.s32 @!p0 s3, s7;
	s7 =	simm.s32 @!p0 $0x108  }
0x21: {  	s3 =	sadd.s32 s3, s9;
	s6 =	sadd.s32 @!p0 $0x88, s6;
	s7 =	simm.s32 @p2 $0x1082  }
0x22: {  	[simem:s7], [sflag:s8] =	dma.local @!p0 [hbm:s6], $0xF7A  }
0x23: {  	s9 =	sor.u32 $0xD0000000, s2;
	s6 =	simm.s32 $0x108;
	_ =	swait.ge @!p0 [sflag:s8], $0x0  }
0x24: {  	s3 =	sadd.s32 $0x88, s3;
	s6 =	simm.s32 @!p1 $0x1082;
	[sflag:s4] =	ssyncset.s32 $0xFFFFF086  }
0x25: {  	[simem:s6], [sflag:s4] =	dma.local [hbm:s3], $0xF7A  }
0x26: {  	[smem:$0x3F9E] =	sst s1;
	(tag) =	ssettag s2;
	_ =	strace s9  }
0x27: {  	s1 =	sld [smem:$0x3FAE]  }
0x28: {  	s2 =	sld [smem:$0x3FAF]  }
0x29: {  	s4 =	sld [smem:$0x3FB1]  }
0x2a: {  	p0 =	seq.s32 s5, $0x0;
	s5 =	sld [smem:$0x3FB2]  }
0x2b: {  	s6 =	sld [smem:$0x3FB3]  }
0x2c: {  	s7 =	sld [smem:$0x3FB4]  }
0x2d: {  	s3 =	simm.s32 $0x108;
	s8 =	sld [smem:$0x3FB5]  }
0x2e: {  	s3 =	simm.s32 @!p0 $0x1082;
	s9 =	sld [smem:$0x3FB6]  }
0x2f: {  	lr =	sadd.s32 s0, s3;
	s0 =	sld [smem:$0x3FAD]  }
0x30: {  	s3 =	sld [smem:$0x3FB0]  }
0x31: {  	[smem:$0x3FB9] =	sst s10  }
0x32: {  	s10 =	sld [smem:$0x3FB7];
	_ =	sdelay $0x3  }
0x33: {  	p0 =	seq.s32 s10, $0x1;
	s10 =	sld [smem:$0x3FB9];
	_ =	sdelay $0x3  }
0x34: {  	[smem:$0x3FB9] =	sst s10  }
0x35: {  	s10 =	sld [smem:$0x3FB8];
	_ =	sdelay $0x3  }
0x36: {  	p1 =	seq.s32 s10, $0x1;
	s10 =	sld [smem:$0x3FB9];
	_ =	sdelay $0x3  }
0x37: {  	[smem:$0x3FB9] =	sst s10  }
0x38: {  	s10 =	sld [smem:$0x3FBA]  }
0x39: {  	_ = 	snop;
	(pc) =	sbr.ind lr, $3  }
0x3a: {  	_ = 	snop  }
0x3b: {  	_ = 	snop  }
0x3c: {  	p2 =	seq.s32 s10, $0x1;
	s10 =	sld [smem:$0x3FB9]  }
0x3d: {  	_ =	shalt  }
0x3e: {  	_ =	shalt  }
0x3f: {  	_ =	shalt  }
0x40: {  	_ =	shalt  }
0x41: {  	_ =	shalt  }
0x42: {  	_ =	shalt  }
0x43: {  	_ =	shalt  }
0x44: {  	_ =	shalt  }
0x45: {  	_ =	shalt  }
0x46: {  	_ =	shalt  }
0x47: {  	_ =	shalt  }
0x48: {  	_ =	shalt  }
0x49: {  	_ =	shalt  }
0x4a: {  	_ =	shalt  }
0x4b: {  	_ =	shalt  }
0x4c: {  	_ =	shalt  }
0x4d: {  	_ =	shalt  }
0x4e: {  	_ =	shalt  }
0x4f: {  	_ =	shalt  }
0x50: {  	_ =	shalt  }
0x51: {  	_ =	shalt  }
0x52: {  	_ =	shalt  }
0x53: {  	_ =	shalt  }
0x54: {  	_ =	shalt  }
0x55: {  	_ =	shalt  }
0x56: {  	_ =	shalt  }
0x57: {  	_ =	shalt  }
0x58: {  	_ =	shalt  }
0x59: {  	_ =	shalt  }
0x5a: {  	_ =	shalt  }
0x5b: {  	_ =	shalt  }
0x5c: {  	_ =	shalt  }
0x5d: {  	_ =	shalt  }
0x5e: {  	_ =	shalt  }
0x5f: {  	_ =	shalt  }
0x60: {  	_ =	shalt  }
0x61: {  	_ =	shalt  }
0x62: {  	_ =	shalt  }
0x63: {  	_ =	shalt  }
0x64: {  	_ =	shalt  }
0x65: {  	_ =	shalt  }
0x66: {  	_ =	shalt  }
0x67: {  	_ =	shalt  }
0x68: {  	_ =	shalt  }
0x69: {  	_ =	shalt  }
0x6a: {  	_ =	shalt  }
0x6b: {  	_ =	shalt  }
0x6c: {  	_ =	shalt  }
0x6d: {  	_ =	shalt  }
0x6e: {  	_ =	shalt  }
0x6f: {  	_ =	shalt  }
0x70: {  	_ =	shalt  }
0x71: {  	_ =	shalt  }
0x72: {  	_ =	shalt  }
0x73: {  	_ =	shalt  }
0x74: {  	_ =	shalt  }
0x75: {  	_ =	shalt  }
0x76: {  	_ =	shalt  }
0x77: {  	_ =	shalt  }
0x78: {  	_ =	shalt  }
0x79: {  	_ =	shalt  }
0x7a: {  	_ =	shalt  }
0x7b: {  	_ =	shalt  }
0x7c: {  	_ =	shalt  }
0x7d: {  	_ =	shalt  }
0x7e: {  	_ =	shalt  }
0x7f: {  	_ =	shalt  }
0x80: {  	_ =	shalt  }
0x81: {  	_ =	shalt  }
0x82: {  	_ =	shalt  }
0x83: {  	_ =	shalt  }
0x84: {  	_ =	shalt  }
0x85: {  	_ =	shalt  }
0x86: {  	_ =	shalt  }
0x87: {  	_ =	shalt  }
.Lfunc_end0:
.L_simem_size_0:
called_computation_lowered:
.L_overlay_start_0:
0x88: {  	s2 =	sld [smem:$0x3FD9]  }
0x89: {  	s3 =	sld [smem:$0x3FFE];
	_ =	sdelay $0x1  }
0x8a: {  	s1 =	srdreg.scid  }
0x8b: {  	s0 =	sand.u32 $0x1, s1  }
0x8c: {  	s18 =	sshll.u32 s0, $0xA;
	s2 =	sadd.s32 s3, s2  }
0x8d: {  	s2 =	sadd.s32 s2, s18  }
0x8e: {  	[smem:$0x3FC5] =	sst s2  }
0x8f: {  	_ = 	snop  }
0x90: {  	s2 =	sld [smem:$0x3FC9]  }
0x91: {  	s19 =	sld [smem:$0x3FC8]  }
0x92: {  	s4 =	sld [smem:$0x3FC7]  }
0x93: {  	s5 =	sld [smem:$0x3FD0];
	(tm) =	ssettm $0x1  }
0x94: {  	s6 =	sld [smem:$0x3FFB];
	_ =	sdelay $0x3  }
0x95: {  	_ =	strace s6  }
0x96: {  	s6 =	sld [smem:$0x3FFC];
	_ =	sdelay $0x3  }
0x97: {  	_ =	strace s6  }
0x98: {  	s6 =	sld [smem:$0x3FFD];
	_ =	sdelay $0x3  }
0x99: {  	_ =	strace s6  }
0x9a: {  	_ =	strace $0x8FFFFFFF  }
0x9b: {  	s20 =	sld [smem:$0x3FDB];
	_ =	sdelay $0x1  }
0x9c: {  	s7 =	simm.s32 $_scs_section_size  }
0x9d: {  	s8 =	simm.s32 $_size__tile_overlayer_lowered;
	s9 =	simm.s32 $_tile_overlayer_lowered  }
0x9e: {  	s23 =	simm.s32 $0x1BFF;
	s22 =	sshll.u32 s9, $0x1;
	s6 =	sadd.s32 s7, s20  }
0x9f: {  	s10 =	simm.s32 $0x0;
	s21 =	sshll.u32 s8, $0x1;
	s8 =	sadd.s32 s22, s6  }
0xa0: {  	[timem:s10], [sflag:s23] =	dma.local [hbm:s8], s21  }
0xa1: {  	_ =	swait.ge [sflag:s23], s21  }
0xa2: {  	s7 =	ssub.s32 $0x0, s21;
	[sflag:s23] =	ssyncset.done $0x0  }
0xa3: {  	[sflag:s23] =	ssyncadd.s32 s7;
	_ =	sdelay $0x1  }
0xa4: {  	s24 =	simm.s32 $0x1B8B  }
0xa5: {  	_ =	swait.ge [sflag:s24], $0x1  }
0xa6: {  	[sflag:s24] =	ssyncset.done $0x0  }
0xa7: {  	s25 =	simm.s32 $0x1B8E;
	[sflag:s24] =	ssyncadd.s32 $0xFFFFFFFF  }
0xa8: {  	s26 =	simm.s32 $execute0_lowered;
	[smem:$0x3FD2] =	sst s25  }
0xa9: {  	s7 =	sshll.u32 s26, $0x1;
	_ =	strace $0x80000046;
	[dreg:$0x1] =	wrdreg $0xFFFFFFFF  }
0xaa: {  	s28 =	simm.s32 $_size_execute0_lowered;
	s6 =	sadd.s32 s6, s7;
	[dreg:$0x0] =	wrdreg $0x0  }
0xab: {  	s7 =	sshll.u32 s28, $0x1;
	[dreg:$0x2] =	wrdreg s6  }
0xac: {  	[dreg:$0x3] =	wrdreg s7  }
0xad: {  	[dreg:$0x4] =	wrdreg $0xC0  }
0xae: {  	_ =	task [dreg:s10], $0x5FFFF  }
0xaf: {  	[dreg:$0x1] =	wrdreg $0xFFFFFFFF  }
0xb0: {  	[dreg:$0x0] =	wrdreg $0x60  }
0xb1: {  	[dreg:$0x2] =	wrdreg s2  }
0xb2: {  	[dreg:$0x3] =	wrdreg s19  }
0xb3: {  	[dreg:$0x4] =	wrdreg s4  }
0xb4: {  	[dreg:$0x5] =	wrdreg s5  }
0xb5: {  	[dreg:$0x6] =	wrdreg $0x9  }
0xb6: {  	_ =	task.clear_ibuf [dreg:s10], $0x7FFFF;
	_ =	strace $0x90000046  }
0xb7: {  	s29 =	simm.s32 $0x9;
	_ =	strace $0x80000048  }
0xb8: {  	_ =	swait.ge [sflag:s29], $0x1  }
0xb9: {  	[sflag:s29] =	ssyncadd.s32 $0xFFFFFFFF  }
0xba: {  	_ =	strace $0x90000048  }
0xbb: {  	_ =	sfence  }
0xbc: {  	s30 =	sld [smem:$0x0];
	_ =	sdelay $0x2  }
0xbd: {  	s31 =	sshll.u32 s1, $0xD;
	s1 =	sshrl.u32 s1, $0x2  }
0xbe: {  	s3 =	sand.u32 $0x4000, s31;
	s1 =	sadd.s32 s1, s30  }
0xbf: {  	s0 =	sor.u32 s3, s0;
	s1 =	sshll.u32 s1, $0x11  }
0xc0: {  	s0 =	sor.u32 s1, s0  }
0xc1: {  	s0 =	sadd.s32 $0x8F2B, s0  }
0xc2: {  	[sflag:s0] =	ssyncadd.remote.s32 $0x1  }
0xc3: {  	_ =	sfence.sel $0xFFFF  }
0xc4: {  	[dreg:$0x0] =	wrdreg $0xFFFFFFFF;
	(pc) =	sbr.abs _section_cstart, $3  }
0xc5: {  	[dreg:$0x1] =	wrdreg $0xFFFFFFFF  }
0xc6: {  	_ =	task.clear_ibuf [dreg:s10], $0x2FFFF;
	_ =	strace $0x9FFFFFFF  }
0xc7: {  	(tm) =	ssettm $0x7FFFFFFF  }
tec
execute0_lowered:
.L_overlay_start_1:
0x0: {  	(tag) =	ssettag $0x1  }
0x1: {  	s0 =	rddreg [dreg:$0x0]  }
0x2: {  	s1 =	rddreg [dreg:$0x1]  }
0x3: {  	s2 =	rddreg [dreg:$0x2]  }
0x4: {  	s4 =	rddreg [dreg:$0x3]  }
0x5: {  	s3 =	srdreg.scid;
	s6 =	stileid.u32  }
0x6: {  	s31 =	simm.s32 $0x280;
	s12 =	simm.s32 $0x4;
	s14 =	simm.s32 $0x7  }
0x7: {  	s15 =	simm.s32 $0x5;
	s28 =	simm.s32 $0xA;
	s5 =	sand.u32 $0x1, s3  }
0x8: {  	s3 =	simm.s32 $0x0;
	s6 =	sshll.u32 s6, $0x9;
	s10 =	sadd.s32 $0x10, s0  }
0x9: {  	s21 =	sadd.s32 $0x20, s0;
	s7 =	sshll.u32 s5, $0x8;
	[smem:$0x7FF] =	sst s3  }
0xa: {  	s5 =	ssub.s32 $0x2, s5;
	s6 =	sor.u32 s7, s6;
	_ =	strace $0x80000047  }
0xb: {  	s16 =	sshrl.u32 s5, $0x1;
	s7 =	simm.s32 $0xC400;
	s8 =	sshrl.u32 s6, $0x1  }
0xc: {  	s5 =	ssub.s32 s5, s16;
	s18 =	sor.u32 $0x80, s6;
	s6 =	sshll.u32 s6, $0x4  }
0xd: {  	s16 =	simm.s32 $0x8;
	s17 =	sadd.s32 s0, s8;
	s9 =	sshrl.u32 s18, $0x1  }
0xe: {  	s11 =	sadd.s32 s2, s6;
	s20 =	sadd.s32 s8, s10;
	[dreg:$0x5] =	wrdreg s17  }
0xf: {  	s22 =	sadd.s32 s8, s21;
	s23 =	sshll.u32 s18, $0x4;
	[dreg:$0x6] =	wrdreg s11  }
0x10: {  	s13 =	sadd.s32 s4, s6;
	s6 =	simm.s32 $0x1;
	[dreg:$0x8] =	wrdreg s20  }
0x11: {  	s18 =	simm.s32 $0x0;
	s19 =	sadd.s32 s0, s9;
	[dreg:$0xa] =	wrdreg s22  }
0x12: {  	s10 =	sadd.s32 s9, s10;
	s0 =	sadd.s32 $0x30, s0;
	[dreg:$0x7] =	wrdreg s19  }
0x13: {  	s2 =	sadd.s32 s2, s23;
	s24 =	sadd.s32 $0x20000, s13;
	[dreg:$0x9] =	wrdreg s10  }
0x14: {  	s25 =	sadd.s32 $0x20800, s13;
	s26 =	sadd.s32 $0x40000, s13;
	[dreg:$0xe] =	wrdreg s2  }
0x15: {  	s29 =	sadd.s32 $0x40800, s13;
	s30 =	sadd.s32 $0x60000, s13;
	[dreg:$0x10] =	wrdreg s24  }
0x16: {  	s22 =	smax.u32 s5, $0x1;
	s5 =	simm.s32 $0xC;
	[dreg:$0x11] =	wrdreg s25  }
0x17: {  	s11 =	simm.s32 $0x6;
	s17 =	simm.s32 $0x9;
	[dreg:$0x12] =	wrdreg s26  }
0x18: {  	s10 =	sadd.s32 s9, s21;
	s8 =	sadd.s32 s8, s0;
	[dreg:$0x13] =	wrdreg s29  }
0x19: {  	s0 =	sadd.s32 s9, s0;
	[dreg:$0x14] =	wrdreg s30;
	s21 =	sadd.s32 $0x60800, s13  }
0x1a: {  	s24 =	simm.s32 $0x80;
	s25 =	simm.s32 $0x400;
	[dreg:$0xb] =	wrdreg s10  }
0x1b: {  	s2 =	simm.s32 $0x380;
	s26 =	simm.s32 $0x4400;
	[dreg:$0xc] =	wrdreg s8  }
0x1c: {  	s9 =	simm.s32 $0x10400;
	[dreg:$0xd] =	wrdreg s0;
	s0 =	sadd.s32 s4, s23  }
0x1d: {  	s23 =	simm.s32 $0xB;
	s4 =	simm.s32 $0x8400;
	s8 =	simm.s32 $0x2  }
0x1e: {  	s10 =	simm.s32 $0x3;
	[dreg:$0xf] =	wrdreg s0;
	s0 =	simm.s32 $0x300  }
.LBB2_1:
0x1f: {  	s19 =	rddreg [dreg:$0x5]  }
0x20: {  	[tilespmem:s3], [sflag:$0xB] =	stream.linear.gather [hbm4b:s19+s3], $0x80, $0x38;
	[tilespmem:$0x1C400] =	vst v63  }
0x21: {  	_ =	swait.ge [sflag:s23], $0x80  }
0x22: {  	[sflag:s23] =	ssyncset.done $0x0  }
0x23: {  	[sflag:s23] =	ssyncadd.s32 $0xFFFFFF80  }
0x24: {  	[tilespmem:s25], [sflag:$0x1] =	stream.indirect.gather [hbm4b:s1+s24], $0x80, s3, s24, $0xb8;
	[tilespmem:$0x1C400] =	vst v63  }
0x25: {  	s29 =	simm.s32 $0x14400;
	s20 =	rddreg [dreg:$0x6]  }
0x26: {  	[tilespmem:s29], [sflag:$0xC] =	stream.linear.gather [hbm4b:s20+s3], $0x4000, $0x38;
	[tilespmem:$0x1C400] =	vst v63  }
0x27: {  	s20 =	rddreg [dreg:$0x7]  }
0x28: {  	[tilespmem:s24], [sflag:$0xB] =	stream.linear.gather [hbm4b:s20+s3], $0x80, $0x38;
	[tilespmem:$0x1C400] =	vst v63  }
0x29: {  	s29 =	simm.s32 $0x100;
	s20 =	rddreg [dreg:$0x8]  }
0x2a: {  	[tilespmem:s29], [sflag:$0xB] =	stream.linear.gather [hbm4b:s20+s3], $0x80, $0x38;
	[tilespmem:$0x1C400] =	vst v63  }
0x2b: {  	s30 =	simm.s32 $0x180;
	s20 =	rddreg [dreg:$0x9]  }
0x2c: {  	[tilespmem:s30], [sflag:$0xB] =	stream.linear.gather [hbm4b:s20+s3], $0x80, $0x38;
	[tilespmem:$0x1C400] =	vst v63  }
0x2d: {  	s30 =	simm.s32 $0x200;
	s20 =	rddreg [dreg:$0xa]  }
0x2e: {  	[tilespmem:s30], [sflag:$0xB] =	stream.linear.gather [hbm4b:s20+s3], $0x80, $0x38;
	[tilespmem:$0x1C400] =	vst v63  }
0x2f: {  	s20 =	rddreg [dreg:$0xb]  }
0x30: {  	[tilespmem:s31], [sflag:$0xB] =	stream.linear.gather [hbm4b:s20+s3], $0x80, $0x38;
	[tilespmem:$0x1C400] =	vst v63  }
0x31: {  	s20 =	rddreg [dreg:$0xc]  }
0x32: {  	[tilespmem:s0], [sflag:$0xB] =	stream.linear.gather [hbm4b:s20+s3], $0x80, $0x38;
	[tilespmem:$0x1C400] =	vst v63  }
0x33: {  	s20 =	rddreg [dreg:$0xd]  }
0x34: {  	[tilespmem:s2], [sflag:$0xB] =	stream.linear.gather [hbm4b:s20+s3], $0x80, $0x38;
	[tilespmem:$0x1C400] =	vst v63  }
0x35: {  	_ =	swait.ge [sflag:s23], $0x80  }
0x36: {  	[sflag:s23] =	ssyncset.done $0x0  }
0x37: {  	[sflag:s23] =	ssyncadd.s32 $0xFFFFFF80  }
0x38: {  	_ =	swait.ge [sflag:s23], $0x80  }
0x39: {  	[sflag:s23] =	ssyncset.done $0x0  }
0x3a: {  	[sflag:s23] =	ssyncadd.s32 $0xFFFFFF80  }
0x3b: {  	_ =	swait.ge [sflag:s23], $0x80  }
0x3c: {  	[sflag:s23] =	ssyncset.done $0x0  }
0x3d: {  	[sflag:s23] =	ssyncadd.s32 $0xFFFFFF80  }
0x3e: {  	_ =	swait.ge [sflag:s23], $0x80  }
0x3f: {  	[sflag:s23] =	ssyncset.done $0x0  }
0x40: {  	[sflag:s23] =	ssyncadd.s32 $0xFFFFFF80  }
0x41: {  	_ =	swait.ge [sflag:s23], $0x80  }
0x42: {  	[sflag:s23] =	ssyncset.done $0x0  }
0x43: {  	[sflag:s23] =	ssyncadd.s32 $0xFFFFFF80  }
0x44: {  	_ =	swait.ge [sflag:s23], $0x80  }
0x45: {  	[sflag:s23] =	ssyncset.done $0x0  }
0x46: {  	[sflag:s23] =	ssyncadd.s32 $0xFFFFFF80  }
0x47: {  	_ =	swait.ge [sflag:s23], $0x80  }
0x48: {  	[sflag:s23] =	ssyncset.done $0x0  }
0x49: {  	[sflag:s23] =	ssyncadd.s32 $0xFFFFFF80  }
0x4a: {  	[tilespmem:s26], [sflag:$0x2] =	stream.indirect.gather [hbm4b:s1+s24], $0x80, s24, s24, $0xb8;
	[tilespmem:$0x1C400] =	vst v63  }
0x4b: {  	s20 =	simm.s32 $0x18400;
	s19 =	rddreg [dreg:$0xe]  }
0x4c: {  	[tilespmem:s20], [sflag:$0xB] =	stream.linear.gather [hbm4b:s19+s3], $0x4000, $0x38;
	[tilespmem:$0x1C400] =	vst v63  }
0x4d: {  	_ = 	snop  }
0x4e: {  	[tilespmem:s4], [sflag:$0x3] =	stream.indirect.gather [hbm4b:s1+s24], $0x80, s29, s24, $0xb8;
	[tilespmem:$0x1C400] =	vst v63  }
0x4f: {  	_ =	swait.ge [sflag:s5], $0x4000  }
0x50: {  	[sflag:s5] =	ssyncset.done $0x0  }
0x51: {  	[sflag:s5] =	ssyncadd.s32 $0xFFFFC000  }
0x52: {  	_ =	swait.ge [sflag:s6], $0x4000  }
0x53: {  	[sflag:s6] =	ssyncset.done $0x0  }
0x54: {  	s19 =	simm.s32 $0x200;
	s29 =	simm.s32 $0x0;
	[sflag:s6] =	ssyncadd.s32 $0xFFFFC000  }
.LBB2_2:
0x55: {  	p0 =	sne.s32 s19, $0xFE00;
	v0 =	vld [tilespmem:s29+$0x14470]  }
0x56: {  	v1 =	vld [tilespmem:s29+$0x14400]  }
0x57: {  	v2 =	vld [tilespmem:s29+$0x14410]  }
0x58: {  	v3 =	vld [tilespmem:s29+$0x14420]  }
0x59: {  	v4 =	vld [tilespmem:s29+$0x14430]  }
0x5a: {  	[tilespmem:s29+$0x470] =	vst.add.f32.msk $0xffff, v0  }
0x5b: {  	v0 =	vld [tilespmem:s29+$0x14440]  }
0x5c: {  	v5 =	vld [tilespmem:s29+$0x14450]  }
0x5d: {  	v6 =	vld [tilespmem:s29+$0x14460]  }
0x5e: {  	[tilespmem:s29+$0x400] =	vst.add.f32.msk $0xffff, v1  }
0x5f: {  	[tilespmem:s29+$0x410] =	vst.add.f32.msk $0xffff, v2  }
.Ltmp0:
0x60: {  	[tilespmem:s29+$0x420] =	vst.add.f32.msk $0xffff, v3;
	(pc) =	sbr.rel @p0 .LBB2_2-.Ltmp0, $4  }
0x61: {  	[tilespmem:s29+$0x430] =	vst.add.f32.msk $0xffff, v4  }
0x62: {  	[tilespmem:s29+$0x440] =	vst.add.f32.msk $0xffff, v0  }
0x63: {  	[tilespmem:s29+$0x450] =	vst.add.f32.msk $0xffff, v5  }
0x64: {  	[tilespmem:s29+$0x460] =	vst.add.f32.msk $0xffff, v6;
	s29 =	sshra.s32 s19, $0x2;
	s19 =	sadd.s32 $0x200, s19  }
0x65: {  	v0 =	vld [tilespmem:s29+$0x14470]  }
0x66: {  	v1 =	vld [tilespmem:s29+$0x14400]  }
0x67: {  	v2 =	vld [tilespmem:s29+$0x14410]  }
0x68: {  	v3 =	vld [tilespmem:s29+$0x14420]  }
0x69: {  	v4 =	vld [tilespmem:s29+$0x14430]  }
0x6a: {  	v63 =	vld [tilespmem:s29+$0x14440]  }
0x6b: {  	v5 =	vld [tilespmem:s29+$0x14450]  }
0x6c: {  	v6 =	vld [tilespmem:s29+$0x14460]  }
0x6d: {  	[tilespmem:s29+$0x470] =	vst.add.f32.msk $0xffff, v0  }
0x6e: {  	[tilespmem:s29+$0x400] =	vst.add.f32.msk $0xffff, v1  }
0x6f: {  	[tilespmem:s29+$0x410] =	vst.add.f32.msk $0xffff, v2  }
0x70: {  	[tilespmem:s29+$0x420] =	vst.add.f32.msk $0xffff, v3  }
0x71: {  	[tilespmem:s29+$0x430] =	vst.add.f32.msk $0xffff, v4  }
0x72: {  	[tilespmem:s29+$0x440] =	vst.add.f32.msk $0xffff, v63  }
0x73: {  	[tilespmem:s29+$0x450] =	vst.add.f32.msk $0xffff, v5  }
0x74: {  	s19 =	simm.s32 $0x0;
	[tilespmem:s29+$0x460] =	vst.add.f32.msk $0xffff, v6  }
0x75: {  	[hbm4b:s13+s19] =	stream.linear.scatter [tilespmem:s25], [sflag:$0x6], $0x4000, $0x38;
	[tilespmem:$0x1C400] =	vst v63  }
0x76: {  	s20 =	simm.s32 $0x180  }
0x77: {  	[tilespmem:s7], [sflag:$0x4] =	stream.indirect.gather [hbm4b:s1+s24], $0x80, s20, s24, $0xb8;
	[tilespmem:$0x1C400] =	vst v63  }
0x78: {  	_ =	swait.ge [sflag:s23], $0x4000  }
0x79: {  	[sflag:s23] =	ssyncset.done $0x0  }
0x7a: {  	[sflag:s23] =	ssyncadd.s32 $0xFFFFC000  }
0x7b: {  	_ =	swait.ge [sflag:s8], $0x4000  }
0x7c: {  	[sflag:s8] =	ssyncset.done $0x0  }
0x7d: {  	s29 =	simm.s32 $0x0;
	s19 =	simm.s32 $0x200;
	[sflag:s8] =	ssyncadd.s32 $0xFFFFC000  }
.LBB2_4:
0x7e: {  	p0 =	sne.s32 s19, $0xFE00;
	v0 =	vld [tilespmem:s29+$0x18470]  }
0x7f: {  	v1 =	vld [tilespmem:s29+$0x18400]  }
0x80: {  	v2 =	vld [tilespmem:s29+$0x18410]  }
0x81: {  	v3 =	vld [tilespmem:s29+$0x18420]  }
0x82: {  	v4 =	vld [tilespmem:s29+$0x18430]  }
0x83: {  	[tilespmem:s29+$0x4470] =	vst.add.f32.msk $0xffff, v0  }
0x84: {  	v0 =	vld [tilespmem:s29+$0x18440]  }
0x85: {  	v5 =	vld [tilespmem:s29+$0x18450]  }
0x86: {  	v6 =	vld [tilespmem:s29+$0x18460]  }
0x87: {  	[tilespmem:s29+$0x4400] =	vst.add.f32.msk $0xffff, v1  }
0x88: {  	[tilespmem:s29+$0x4410] =	vst.add.f32.msk $0xffff, v2  }
.Ltmp1:
0x89: {  	[tilespmem:s29+$0x4420] =	vst.add.f32.msk $0xffff, v3;
	(pc) =	sbr.rel @p0 .LBB2_4-.Ltmp1, $4  }
0x8a: {  	[tilespmem:s29+$0x4430] =	vst.add.f32.msk $0xffff, v4  }
0x8b: {  	[tilespmem:s29+$0x4440] =	vst.add.f32.msk $0xffff, v0  }
0x8c: {  	[tilespmem:s29+$0x4450] =	vst.add.f32.msk $0xffff, v5  }
0x8d: {  	[tilespmem:s29+$0x4460] =	vst.add.f32.msk $0xffff, v6;
	s29 =	sshra.s32 s19, $0x2;
	s19 =	sadd.s32 $0x200, s19  }
0x8e: {  	v0 =	vld [tilespmem:s29+$0x18470]  }
0x8f: {  	v1 =	vld [tilespmem:s29+$0x18400]  }
0x90: {  	v2 =	vld [tilespmem:s29+$0x18410]  }
0x91: {  	v3 =	vld [tilespmem:s29+$0x18420]  }
0x92: {  	v4 =	vld [tilespmem:s29+$0x18430]  }
0x93: {  	v63 =	vld [tilespmem:s29+$0x18440]  }
0x94: {  	v5 =	vld [tilespmem:s29+$0x18450]  }
0x95: {  	v6 =	vld [tilespmem:s29+$0x18460]  }
0x96: {  	[tilespmem:s29+$0x4470] =	vst.add.f32.msk $0xffff, v0  }
0x97: {  	[tilespmem:s29+$0x4400] =	vst.add.f32.msk $0xffff, v1  }
0x98: {  	[tilespmem:s29+$0x4410] =	vst.add.f32.msk $0xffff, v2  }
0x99: {  	[tilespmem:s29+$0x4420] =	vst.add.f32.msk $0xffff, v3  }
0x9a: {  	[tilespmem:s29+$0x4430] =	vst.add.f32.msk $0xffff, v4  }
0x9b: {  	[tilespmem:s29+$0x4440] =	vst.add.f32.msk $0xffff, v63  }
0x9c: {  	[tilespmem:s29+$0x4450] =	vst.add.f32.msk $0xffff, v5  }
0x9d: {  	s19 =	simm.s32 $0x0;
	[tilespmem:s29+$0x4460] =	vst.add.f32.msk $0xffff, v6;
	s29 =	rddreg [dreg:$0xf]  }
0x9e: {  	[hbm4b:s29+s19] =	stream.linear.scatter [tilespmem:s26], [sflag:$0x7], $0x4000, $0x38;
	[tilespmem:$0x1C400] =	vst v63  }
0x9f: {  	_ = 	snop  }
0xa0: {  	[tilespmem:s9], [sflag:$0x5] =	stream.indirect.gather [hbm4b:s1+s24], $0x80, s30, s24, $0xb8;
	[tilespmem:$0x1C400] =	vst v63  }
0xa1: {  	_ =	swait.ge [sflag:s10], $0x4000  }
0xa2: {  	[sflag:s10] =	ssyncset.done $0x0  }
0xa3: {  	s29 =	simm.s32 $0x0;
	s19 =	simm.s32 $0x200;
	[sflag:s10] =	ssyncadd.s32 $0xFFFFC000  }
.LBB2_6:
0xa4: {  	p0 =	sne.s32 s19, $0xFE00;
	v0 =	vld [tilespmem:s29+$0x14470]  }
0xa5: {  	v1 =	vld [tilespmem:s29+$0x14400]  }
0xa6: {  	v2 =	vld [tilespmem:s29+$0x14410]  }
0xa7: {  	v3 =	vld [tilespmem:s29+$0x14420]  }
0xa8: {  	v4 =	vld [tilespmem:s29+$0x14430]  }
0xa9: {  	[tilespmem:s29+$0x8470] =	vst.add.f32.msk $0xffff, v0  }
0xaa: {  	v0 =	vld [tilespmem:s29+$0x14440]  }
0xab: {  	v5 =	vld [tilespmem:s29+$0x14450]  }
0xac: {  	v6 =	vld [tilespmem:s29+$0x14460]  }
0xad: {  	[tilespmem:s29+$0x8400] =	vst.add.f32.msk $0xffff, v1  }
0xae: {  	[tilespmem:s29+$0x8410] =	vst.add.f32.msk $0xffff, v2  }
.Ltmp2:
0xaf: {  	[tilespmem:s29+$0x8420] =	vst.add.f32.msk $0xffff, v3;
	(pc) =	sbr.rel @p0 .LBB2_6-.Ltmp2, $4  }
0xb0: {  	[tilespmem:s29+$0x8430] =	vst.add.f32.msk $0xffff, v4  }
0xb1: {  	[tilespmem:s29+$0x8440] =	vst.add.f32.msk $0xffff, v0  }
0xb2: {  	[tilespmem:s29+$0x8450] =	vst.add.f32.msk $0xffff, v5  }
0xb3: {  	[tilespmem:s29+$0x8460] =	vst.add.f32.msk $0xffff, v6;
	s29 =	sshra.s32 s19, $0x2;
	s19 =	sadd.s32 $0x200, s19  }
0xb4: {  	v0 =	vld [tilespmem:s29+$0x14470]  }
0xb5: {  	v1 =	vld [tilespmem:s29+$0x14400]  }
0xb6: {  	v2 =	vld [tilespmem:s29+$0x14410]  }
0xb7: {  	v3 =	vld [tilespmem:s29+$0x14420]  }
0xb8: {  	v4 =	vld [tilespmem:s29+$0x14430]  }
0xb9: {  	v63 =	vld [tilespmem:s29+$0x14440]  }
0xba: {  	v5 =	vld [tilespmem:s29+$0x14450]  }
0xbb: {  	v6 =	vld [tilespmem:s29+$0x14460]  }
0xbc: {  	[tilespmem:s29+$0x8470] =	vst.add.f32.msk $0xffff, v0  }
0xbd: {  	[tilespmem:s29+$0x8400] =	vst.add.f32.msk $0xffff, v1  }
0xbe: {  	[tilespmem:s29+$0x8410] =	vst.add.f32.msk $0xffff, v2  }
0xbf: {  	[tilespmem:s29+$0x8420] =	vst.add.f32.msk $0xffff, v3  }
0xc0: {  	[tilespmem:s29+$0x8430] =	vst.add.f32.msk $0xffff, v4  }
0xc1: {  	[tilespmem:s29+$0x8440] =	vst.add.f32.msk $0xffff, v63  }
0xc2: {  	[tilespmem:s29+$0x8450] =	vst.add.f32.msk $0xffff, v5  }
0xc3: {  	s19 =	simm.s32 $0x0;
	[tilespmem:s29+$0x8460] =	vst.add.f32.msk $0xffff, v6;
	s29 =	rddreg [dreg:$0x10]  }
0xc4: {  	[hbm4b:s29+s19] =	stream.linear.scatter [tilespmem:s4], [sflag:$0x8], $0x4000, $0x38;
	[tilespmem:$0x1C400] =	vst v63  }
0xc5: {  	_ =	swait.ge [sflag:s11], $0x4000  }
0xc6: {  	[sflag:s11] =	ssyncset.done $0x0  }
0xc7: {  	[sflag:s11] =	ssyncadd.s32 $0xFFFFC000  }
0xc8: {  	[tilespmem:s25], [sflag:$0x1] =	stream.indirect.gather [hbm4b:s1+s24], $0x80, s31, s24, $0xb8;
	[tilespmem:$0x1C400] =	vst v63  }
0xc9: {  	_ =	swait.ge [sflag:s12], $0x4000  }
0xca: {  	[sflag:s12] =	ssyncset.done $0x0  }
0xcb: {  	s29 =	simm.s32 $0x0;
	s19 =	simm.s32 $0x200;
	[sflag:s12] =	ssyncadd.s32 $0xFFFFC000  }
.LBB2_8:
0xcc: {  	p0 =	sne.s32 s19, $0xFE00;
	v0 =	vld [tilespmem:s29+$0x18470]  }
0xcd: {  	v1 =	vld [tilespmem:s29+$0x18400]  }
0xce: {  	v2 =	vld [tilespmem:s29+$0x18410]  }
0xcf: {  	v3 =	vld [tilespmem:s29+$0x18420]  }
0xd0: {  	v4 =	vld [tilespmem:s29+$0x18430]  }
0xd1: {  	[tilespmem:s29+$0xC470] =	vst.add.f32.msk $0xffff, v0  }
0xd2: {  	v0 =	vld [tilespmem:s29+$0x18440]  }
0xd3: {  	v5 =	vld [tilespmem:s29+$0x18450]  }
0xd4: {  	v6 =	vld [tilespmem:s29+$0x18460]  }
0xd5: {  	[tilespmem:s29+$0xC400] =	vst.add.f32.msk $0xffff, v1  }
0xd6: {  	[tilespmem:s29+$0xC410] =	vst.add.f32.msk $0xffff, v2  }
.Ltmp3:
0xd7: {  	[tilespmem:s29+$0xC420] =	vst.add.f32.msk $0xffff, v3;
	(pc) =	sbr.rel @p0 .LBB2_8-.Ltmp3, $4  }
0xd8: {  	[tilespmem:s29+$0xC430] =	vst.add.f32.msk $0xffff, v4  }
0xd9: {  	[tilespmem:s29+$0xC440] =	vst.add.f32.msk $0xffff, v0  }
0xda: {  	[tilespmem:s29+$0xC450] =	vst.add.f32.msk $0xffff, v5  }
0xdb: {  	[tilespmem:s29+$0xC460] =	vst.add.f32.msk $0xffff, v6;
	s29 =	sshra.s32 s19, $0x2;
	s19 =	sadd.s32 $0x200, s19  }
0xdc: {  	v0 =	vld [tilespmem:s29+$0x18470]  }
0xdd: {  	v1 =	vld [tilespmem:s29+$0x18400]  }
0xde: {  	v2 =	vld [tilespmem:s29+$0x18410]  }
0xdf: {  	v3 =	vld [tilespmem:s29+$0x18420]  }
0xe0: {  	v4 =	vld [tilespmem:s29+$0x18430]  }
0xe1: {  	v63 =	vld [tilespmem:s29+$0x18440]  }
0xe2: {  	v5 =	vld [tilespmem:s29+$0x18450]  }
0xe3: {  	v6 =	vld [tilespmem:s29+$0x18460]  }
0xe4: {  	[tilespmem:s29+$0xC470] =	vst.add.f32.msk $0xffff, v0  }
0xe5: {  	[tilespmem:s29+$0xC400] =	vst.add.f32.msk $0xffff, v1  }
0xe6: {  	[tilespmem:s29+$0xC410] =	vst.add.f32.msk $0xffff, v2  }
0xe7: {  	[tilespmem:s29+$0xC420] =	vst.add.f32.msk $0xffff, v3  }
0xe8: {  	[tilespmem:s29+$0xC430] =	vst.add.f32.msk $0xffff, v4  }
0xe9: {  	[tilespmem:s29+$0xC440] =	vst.add.f32.msk $0xffff, v63  }
0xea: {  	[tilespmem:s29+$0xC450] =	vst.add.f32.msk $0xffff, v5  }
0xeb: {  	s19 =	simm.s32 $0x0;
	[tilespmem:s29+$0xC460] =	vst.add.f32.msk $0xffff, v6;
	s29 =	rddreg [dreg:$0x11]  }
0xec: {  	[hbm4b:s29+s19] =	stream.linear.scatter [tilespmem:s7], [sflag:$0x9], $0x4000, $0x38;
	[tilespmem:$0x1C400] =	vst v63  }
0xed: {  	_ =	swait.ge [sflag:s14], $0x4000  }
0xee: {  	[sflag:s14] =	ssyncset.done $0x0  }
0xef: {  	[sflag:s14] =	ssyncadd.s32 $0xFFFFC000  }
0xf0: {  	[tilespmem:s26], [sflag:$0x2] =	stream.indirect.gather [hbm4b:s1+s24], $0x80, s0, s24, $0xb8;
	[tilespmem:$0x1C400] =	vst v63  }
0xf1: {  	_ =	swait.ge [sflag:s15], $0x4000  }
0xf2: {  	[sflag:s15] =	ssyncset.done $0x0  }
0xf3: {  	s29 =	simm.s32 $0x0;
	s19 =	simm.s32 $0x200;
	[sflag:s15] =	ssyncadd.s32 $0xFFFFC000  }
.LBB2_10:
0xf4: {  	p0 =	sne.s32 s19, $0xFE00;
	v0 =	vld [tilespmem:s29+$0x14470]  }
0xf5: {  	v1 =	vld [tilespmem:s29+$0x14400]  }
0xf6: {  	v2 =	vld [tilespmem:s29+$0x14410]  }
0xf7: {  	v3 =	vld [tilespmem:s29+$0x14420]  }
0xf8: {  	v4 =	vld [tilespmem:s29+$0x14430]  }
0xf9: {  	[tilespmem:s29+$0x10470] =	vst.add.f32.msk $0xffff, v0  }
0xfa: {  	v0 =	vld [tilespmem:s29+$0x14440]  }
0xfb: {  	v5 =	vld [tilespmem:s29+$0x14450]  }
0xfc: {  	v6 =	vld [tilespmem:s29+$0x14460]  }
0xfd: {  	[tilespmem:s29+$0x10400] =	vst.add.f32.msk $0xffff, v1  }
0xfe: {  	[tilespmem:s29+$0x10410] =	vst.add.f32.msk $0xffff, v2  }
.Ltmp4:
0xff: {  	[tilespmem:s29+$0x10420] =	vst.add.f32.msk $0xffff, v3;
	(pc) =	sbr.rel @p0 .LBB2_10-.Ltmp4, $4  }
0x100: {  	[tilespmem:s29+$0x10430] =	vst.add.f32.msk $0xffff, v4  }
0x101: {  	[tilespmem:s29+$0x10440] =	vst.add.f32.msk $0xffff, v0  }
0x102: {  	[tilespmem:s29+$0x10450] =	vst.add.f32.msk $0xffff, v5  }
0x103: {  	[tilespmem:s29+$0x10460] =	vst.add.f32.msk $0xffff, v6;
	s29 =	sshra.s32 s19, $0x2;
	s19 =	sadd.s32 $0x200, s19  }
0x104: {  	v0 =	vld [tilespmem:s29+$0x14470]  }
0x105: {  	v1 =	vld [tilespmem:s29+$0x14400]  }
0x106: {  	v2 =	vld [tilespmem:s29+$0x14410]  }
0x107: {  	v3 =	vld [tilespmem:s29+$0x14420]  }
0x108: {  	v4 =	vld [tilespmem:s29+$0x14430]  }
0x109: {  	v63 =	vld [tilespmem:s29+$0x14440]  }
0x10a: {  	v5 =	vld [tilespmem:s29+$0x14450]  }
0x10b: {  	v6 =	vld [tilespmem:s29+$0x14460]  }
0x10c: {  	[tilespmem:s29+$0x10470] =	vst.add.f32.msk $0xffff, v0  }
0x10d: {  	[tilespmem:s29+$0x10400] =	vst.add.f32.msk $0xffff, v1  }
0x10e: {  	[tilespmem:s29+$0x10410] =	vst.add.f32.msk $0xffff, v2  }
0x10f: {  	[tilespmem:s29+$0x10420] =	vst.add.f32.msk $0xffff, v3  }
0x110: {  	[tilespmem:s29+$0x10430] =	vst.add.f32.msk $0xffff, v4  }
0x111: {  	[tilespmem:s29+$0x10440] =	vst.add.f32.msk $0xffff, v63  }
0x112: {  	[tilespmem:s29+$0x10450] =	vst.add.f32.msk $0xffff, v5  }
0x113: {  	s19 =	simm.s32 $0x0;
	[tilespmem:s29+$0x10460] =	vst.add.f32.msk $0xffff, v6;
	s29 =	rddreg [dreg:$0x12]  }
0x114: {  	[hbm4b:s29+s19] =	stream.linear.scatter [tilespmem:s9], [sflag:$0xA], $0x4000, $0x38;
	[tilespmem:$0x1C400] =	vst v63  }
0x115: {  	_ =	swait.ge [sflag:s16], $0x4000  }
0x116: {  	[sflag:s16] =	ssyncset.done $0x0  }
0x117: {  	[sflag:s16] =	ssyncadd.s32 $0xFFFFC000  }
0x118: {  	[tilespmem:s4], [sflag:$0x3] =	stream.indirect.gather [hbm4b:s1+s24], $0x80, s2, s24, $0xb8;
	[tilespmem:$0x1C400] =	vst v63  }
0x119: {  	_ =	swait.ge [sflag:s6], $0x4000  }
0x11a: {  	[sflag:s6] =	ssyncset.done $0x0  }
0x11b: {  	s29 =	simm.s32 $0x0;
	s19 =	simm.s32 $0x200;
	[sflag:s6] =	ssyncadd.s32 $0xFFFFC000  }
.LBB2_12:
0x11c: {  	p0 =	sne.s32 s19, $0xFE00;
	v0 =	vld [tilespmem:s29+$0x18470]  }
0x11d: {  	v1 =	vld [tilespmem:s29+$0x18400]  }
0x11e: {  	v2 =	vld [tilespmem:s29+$0x18410]  }
0x11f: {  	v3 =	vld [tilespmem:s29+$0x18420]  }
0x120: {  	v4 =	vld [tilespmem:s29+$0x18430]  }
0x121: {  	[tilespmem:s29+$0x470] =	vst.add.f32.msk $0xffff, v0  }
0x122: {  	v0 =	vld [tilespmem:s29+$0x18440]  }
0x123: {  	v5 =	vld [tilespmem:s29+$0x18450]  }
0x124: {  	v6 =	vld [tilespmem:s29+$0x18460]  }
0x125: {  	[tilespmem:s29+$0x400] =	vst.add.f32.msk $0xffff, v1  }
0x126: {  	[tilespmem:s29+$0x410] =	vst.add.f32.msk $0xffff, v2  }
.Ltmp5:
0x127: {  	[tilespmem:s29+$0x420] =	vst.add.f32.msk $0xffff, v3;
	(pc) =	sbr.rel @p0 .LBB2_12-.Ltmp5, $4  }
0x128: {  	[tilespmem:s29+$0x430] =	vst.add.f32.msk $0xffff, v4  }
0x129: {  	[tilespmem:s29+$0x440] =	vst.add.f32.msk $0xffff, v0  }
0x12a: {  	[tilespmem:s29+$0x450] =	vst.add.f32.msk $0xffff, v5  }
0x12b: {  	[tilespmem:s29+$0x460] =	vst.add.f32.msk $0xffff, v6;
	s29 =	sshra.s32 s19, $0x2;
	s19 =	sadd.s32 $0x200, s19  }
0x12c: {  	v0 =	vld [tilespmem:s29+$0x18470]  }
0x12d: {  	v1 =	vld [tilespmem:s29+$0x18400]  }
0x12e: {  	v2 =	vld [tilespmem:s29+$0x18410]  }
0x12f: {  	v3 =	vld [tilespmem:s29+$0x18420]  }
0x130: {  	v4 =	vld [tilespmem:s29+$0x18430]  }
0x131: {  	v63 =	vld [tilespmem:s29+$0x18440]  }
0x132: {  	v5 =	vld [tilespmem:s29+$0x18450]  }
0x133: {  	v6 =	vld [tilespmem:s29+$0x18460]  }
0x134: {  	[tilespmem:s29+$0x470] =	vst.add.f32.msk $0xffff, v0  }
0x135: {  	[tilespmem:s29+$0x400] =	vst.add.f32.msk $0xffff, v1  }
0x136: {  	[tilespmem:s29+$0x410] =	vst.add.f32.msk $0xffff, v2  }
0x137: {  	[tilespmem:s29+$0x420] =	vst.add.f32.msk $0xffff, v3  }
0x138: {  	[tilespmem:s29+$0x430] =	vst.add.f32.msk $0xffff, v4  }
0x139: {  	[tilespmem:s29+$0x440] =	vst.add.f32.msk $0xffff, v63  }
0x13a: {  	[tilespmem:s29+$0x450] =	vst.add.f32.msk $0xffff, v5  }
0x13b: {  	s19 =	simm.s32 $0x0;
	[tilespmem:s29+$0x460] =	vst.add.f32.msk $0xffff, v6;
	s29 =	rddreg [dreg:$0x13]  }
0x13c: {  	[hbm4b:s29+s19] =	stream.linear.scatter [tilespmem:s25], [sflag:$0x6], $0x4000, $0x38;
	[tilespmem:$0x1C400] =	vst v63  }
0x13d: {  	_ =	swait.ge [sflag:s8], $0x4000  }
0x13e: {  	[sflag:s8] =	ssyncset.done $0x0  }
0x13f: {  	s29 =	simm.s32 $0x0;
	s19 =	simm.s32 $0x200;
	[sflag:s8] =	ssyncadd.s32 $0xFFFFC000  }
.LBB2_14:
0x140: {  	p0 =	sne.s32 s19, $0xFE00;
	v0 =	vld [tilespmem:s29+$0x14470]  }
0x141: {  	v1 =	vld [tilespmem:s29+$0x14400]  }
0x142: {  	v2 =	vld [tilespmem:s29+$0x14410]  }
0x143: {  	v3 =	vld [tilespmem:s29+$0x14420]  }
0x144: {  	v4 =	vld [tilespmem:s29+$0x14430]  }
0x145: {  	[tilespmem:s29+$0x4470] =	vst.add.f32.msk $0xffff, v0  }
0x146: {  	v0 =	vld [tilespmem:s29+$0x14440]  }
0x147: {  	v5 =	vld [tilespmem:s29+$0x14450]  }
0x148: {  	v6 =	vld [tilespmem:s29+$0x14460]  }
0x149: {  	[tilespmem:s29+$0x4400] =	vst.add.f32.msk $0xffff, v1  }
0x14a: {  	[tilespmem:s29+$0x4410] =	vst.add.f32.msk $0xffff, v2  }
.Ltmp6:
0x14b: {  	[tilespmem:s29+$0x4420] =	vst.add.f32.msk $0xffff, v3;
	(pc) =	sbr.rel @p0 .LBB2_14-.Ltmp6, $4  }
0x14c: {  	[tilespmem:s29+$0x4430] =	vst.add.f32.msk $0xffff, v4  }
0x14d: {  	[tilespmem:s29+$0x4440] =	vst.add.f32.msk $0xffff, v0  }
0x14e: {  	[tilespmem:s29+$0x4450] =	vst.add.f32.msk $0xffff, v5  }
0x14f: {  	[tilespmem:s29+$0x4460] =	vst.add.f32.msk $0xffff, v6;
	s29 =	sshra.s32 s19, $0x2;
	s19 =	sadd.s32 $0x200, s19  }
0x150: {  	v0 =	vld [tilespmem:s29+$0x14470]  }
0x151: {  	v1 =	vld [tilespmem:s29+$0x14400]  }
0x152: {  	v2 =	vld [tilespmem:s29+$0x14410]  }
0x153: {  	v3 =	vld [tilespmem:s29+$0x14420]  }
0x154: {  	v4 =	vld [tilespmem:s29+$0x14430]  }
0x155: {  	v63 =	vld [tilespmem:s29+$0x14440]  }
0x156: {  	v5 =	vld [tilespmem:s29+$0x14450]  }
0x157: {  	v6 =	vld [tilespmem:s29+$0x14460]  }
0x158: {  	[tilespmem:s29+$0x4470] =	vst.add.f32.msk $0xffff, v0  }
0x159: {  	[tilespmem:s29+$0x4400] =	vst.add.f32.msk $0xffff, v1  }
0x15a: {  	[tilespmem:s29+$0x4410] =	vst.add.f32.msk $0xffff, v2  }
0x15b: {  	[tilespmem:s29+$0x4420] =	vst.add.f32.msk $0xffff, v3  }
0x15c: {  	[tilespmem:s29+$0x4430] =	vst.add.f32.msk $0xffff, v4  }
0x15d: {  	[tilespmem:s29+$0x4440] =	vst.add.f32.msk $0xffff, v63  }
0x15e: {  	[tilespmem:s29+$0x4450] =	vst.add.f32.msk $0xffff, v5  }
0x15f: {  	s19 =	simm.s32 $0x0;
	s20 =	rddreg [dreg:$0x14];
	[tilespmem:s29+$0x4460] =	vst.add.f32.msk $0xffff, v6  }
0x160: {  	[hbm4b:s20+s19] =	stream.linear.scatter [tilespmem:s26], [sflag:$0x7], $0x4000, $0x38;
	[tilespmem:$0x1C400] =	vst v63  }
0x161: {  	_ =	swait.ge [sflag:s10], $0x4000  }
0x162: {  	[sflag:s10] =	ssyncset.done $0x0  }
0x163: {  	s29 =	simm.s32 $0x0;
	s19 =	simm.s32 $0x200;
	[sflag:s10] =	ssyncadd.s32 $0xFFFFC000  }
.LBB2_16:
0x164: {  	p0 =	sne.s32 s19, $0xFE00;
	v0 =	vld [tilespmem:s29+$0x18470]  }
0x165: {  	v1 =	vld [tilespmem:s29+$0x18400]  }
0x166: {  	v2 =	vld [tilespmem:s29+$0x18410]  }
0x167: {  	v3 =	vld [tilespmem:s29+$0x18420]  }
0x168: {  	v4 =	vld [tilespmem:s29+$0x18430]  }
0x169: {  	[tilespmem:s29+$0x8470] =	vst.add.f32.msk $0xffff, v0  }
0x16a: {  	v0 =	vld [tilespmem:s29+$0x18440]  }
0x16b: {  	v5 =	vld [tilespmem:s29+$0x18450]  }
0x16c: {  	v6 =	vld [tilespmem:s29+$0x18460]  }
0x16d: {  	[tilespmem:s29+$0x8400] =	vst.add.f32.msk $0xffff, v1  }
0x16e: {  	[tilespmem:s29+$0x8410] =	vst.add.f32.msk $0xffff, v2  }
.Ltmp7:
0x16f: {  	[tilespmem:s29+$0x8420] =	vst.add.f32.msk $0xffff, v3;
	(pc) =	sbr.rel @p0 .LBB2_16-.Ltmp7, $4  }
0x170: {  	[tilespmem:s29+$0x8430] =	vst.add.f32.msk $0xffff, v4  }
0x171: {  	[tilespmem:s29+$0x8440] =	vst.add.f32.msk $0xffff, v0  }
0x172: {  	[tilespmem:s29+$0x8450] =	vst.add.f32.msk $0xffff, v5  }
0x173: {  	[tilespmem:s29+$0x8460] =	vst.add.f32.msk $0xffff, v6;
	s29 =	sshra.s32 s19, $0x2;
	s19 =	sadd.s32 $0x200, s19  }
0x174: {  	v0 =	vld [tilespmem:s29+$0x18470]  }
0x175: {  	v1 =	vld [tilespmem:s29+$0x18400]  }
0x176: {  	v2 =	vld [tilespmem:s29+$0x18410]  }
0x177: {  	v3 =	vld [tilespmem:s29+$0x18420]  }
0x178: {  	v4 =	vld [tilespmem:s29+$0x18430]  }
0x179: {  	v63 =	vld [tilespmem:s29+$0x18440]  }
0x17a: {  	v5 =	vld [tilespmem:s29+$0x18450]  }
0x17b: {  	v6 =	vld [tilespmem:s29+$0x18460]  }
0x17c: {  	[tilespmem:s29+$0x8470] =	vst.add.f32.msk $0xffff, v0  }
0x17d: {  	[tilespmem:s29+$0x8400] =	vst.add.f32.msk $0xffff, v1  }
0x17e: {  	[tilespmem:s29+$0x8410] =	vst.add.f32.msk $0xffff, v2  }
0x17f: {  	[tilespmem:s29+$0x8420] =	vst.add.f32.msk $0xffff, v3  }
0x180: {  	[tilespmem:s29+$0x8430] =	vst.add.f32.msk $0xffff, v4  }
0x181: {  	[tilespmem:s29+$0x8440] =	vst.add.f32.msk $0xffff, v63  }
0x182: {  	[tilespmem:s29+$0x8450] =	vst.add.f32.msk $0xffff, v5  }
0x183: {  	[tilespmem:s29+$0x8460] =	vst.add.f32.msk $0xffff, v6  }
0x184: {  	[hbm4b:s21+s3] =	stream.linear.scatter [tilespmem:s4], [sflag:$0x8], $0x4000, $0x38;
	[tilespmem:$0x1C400] =	vst v63  }
0x185: {  	_ =	swait.ge [sflag:s17], $0x4000  }
0x186: {  	[sflag:s17] =	ssyncset.done $0x0  }
0x187: {  	[sflag:s17] =	ssyncadd.s32 $0xFFFFC000  }
0x188: {  	_ =	swait.ge [sflag:s28], $0x4000  }
0x189: {  	[sflag:s28] =	ssyncset.done $0x0  }
0x18a: {  	[sflag:s28] =	ssyncadd.s32 $0xFFFFC000  }
0x18b: {  	_ =	swait.ge [sflag:s11], $0x4000  }
0x18c: {  	[sflag:s11] =	ssyncset.done $0x0  }
0x18d: {  	s18 =	sadd.s32 $0x1, s18;
	[sflag:s11] =	ssyncadd.s32 $0xFFFFC000  }
0x18e: {  	p0 =	sne.s32 s18, s22;
	_ =	swait.ge [sflag:s14], $0x4000  }
.Ltmp8:
0x18f: {  	[sflag:s14] =	ssyncset.done $0x0;
	(pc) =	sbr.rel @p0 .LBB2_1-.Ltmp8, $4  }
0x190: {  	[sflag:s14] =	ssyncadd.s32 $0xFFFFC000  }
0x191: {  	_ =	swait.ge [sflag:s16], $0x4000  }
0x192: {  	[sflag:s16] =	ssyncset.done $0x0  }
0x193: {  	[sflag:s16] =	ssyncadd.s32 $0xFFFFC000  }
0x194: {  	_ =	sfence.sel $0x180000  }
0x195: {  	[bflag:$0x0] =	sbarrier.arrive $0xFFFF  }
0x196: {  	_ =	strace $0x90000047  }
0x197: {  	s0 =	stileid.u32;
	[bflag:$0x2] =	sbarrier.arrive $0xFFFF  }
0x198: {  	p0 =	sne.s32 s0, $0x0;
	s0 =	rddreg [dreg:$0x4]  }
0x199: {  	s0 =	sadd.s32 @!p0 $0x100000, s0  }
0x19a: {  	[sflag:s0] =	ssyncadd.tile.s32 @!p0 $0x1;
	_ =	shalt  }
.Lfunc_end2:
_tile_overlayer_lowered:
.L_overlay_start_2:
0x19b: {  	(tag) =	ssettag $0x2  }
0x19c: {  	s0 =	rddreg [dreg:$0x0];
	s2 =	stileid.u32  }
0x19d: {  	s1 =	rddreg [dreg:$0x1];
	p0 =	sne.s32 s2, $0x0  }
0x19e: {  	s3 =	rddreg [dreg:$0x2];
	[bflag:$0x3] =	sbarrier.arrive $0xFFFF;
	s2 =	simm.s32 @!p0 $0x1C0D  }
0x19f: {  	[timem:s3], [sflag:s2] =	dma.local @!p0 [hbm:s0], s1  }
0x1a0: {  	s0 =	simm.s32 @!p0 $0xD  }
0x1a1: {  	_ =	swait.ge @!p0 [sflag:s0], s1  }
0x1a2: {  	s1 =	ssub.s32 @!p0 $0x0, s1;
	[sflag:s0] =	ssyncset.done @!p0 $0x0  }
0x1a3: {  	[sflag:s0] =	ssyncadd.s32 @!p0 s1  }
0x1a4: {  	[bflag:$0x3] =	sbarrier.arrive $0xFFFF  }
0x1a5: {  	_ =	shalt  }

</sc_bundles>
